<compile_context>
chip_gen: v7x
topology: tpu7x:2x2x1
jax: 0.10.2.dev20260603
libtpu: 0.0.44.dev20260713+nightly
codegen_flags: <defaults>
</compile_context>

<pallas_src>
import dataclasses
import functools

import jax
import jax.numpy as jnp
from jax import lax
from jax.experimental import pallas as pl
from jax.experimental.pallas import tpu as pltpu
from jax.experimental.pallas import tpu_sc as plsc

H = 512
W = 512
H2 = 1024
W2 = 1024
NSENT = H2 * W2

NWORK = 32
BAND = 16
CH = 4096
SCH = 8192
PREP_NC = 8192


def _prep_body(pc_ref, conf_ref, par_ref, sloc_ref, nbr_ref, wts_ref):
    bi = pl.program_id(0)
    px = pc_ref[0, 0:1, :]
    py = pc_ref[0, 1:2, :]
    pz = pc_ref[0, 2:3, :]
    cf = conf_ref[0, 0:1, :]
    k00 = par_ref[0, 0, 0]
    k02 = par_ref[0, 0, 1]
    k11 = par_ref[0, 0, 2]
    k12 = par_ref[0, 0, 3]

    absz = jnp.abs(pz)
    xc = px * k00 / absz + k02
    yc = py * k11 / absz + k12

    x_norm = xc / float(W - 1) * 2.0 - 1.0
    y_norm = -(yc / float(H - 1) * 2.0 - 1.0)
    ix = (x_norm + 1.0) * 0.5 * (W - 1)
    iy = (y_norm + 1.0) * 0.5 * (H - 1)
    x0 = jnp.floor(ix)
    y0 = jnp.floor(iy)
    x1 = x0 + 1.0
    y1 = y0 + 1.0
    wx1 = ix - x0
    wx0 = 1.0 - wx1
    wy1 = iy - y0
    wy0 = 1.0 - wy1
    j = pl.program_id(1)
    spread = (lax.broadcasted_iota(jnp.int32, (1, PREP_NC), 1)
              + j * PREP_NC) & (H * W - 1)

    def nbr(xi, yi, wgt):
        valid = (xi >= 0) & (xi <= W - 1) & (yi >= 0) & (yi <= H - 1)
        xcl = jnp.clip(xi, 0, W - 1).astype(jnp.int32)
        ycl = jnp.clip(yi, 0, H - 1).astype(jnp.int32)
        idx = jnp.where(valid, ycl * W + xcl, spread) + bi * (H * W)
        return idx, wgt * valid.astype(jnp.float32)

    i00, w00 = nbr(x0, y0, wy0 * wx0)
    i01, w01 = nbr(x1, y0, wy0 * wx1)
    i10, w10 = nbr(x0, y1, wy1 * wx0)
    i11, w11 = nbr(x1, y1, wy1 * wx1)
    nbr_ref[0] = jnp.concatenate([i00, i01, i10, i11], axis=0)
    wts_ref[0] = jnp.concatenate([w00, w01, w10, w11], axis=0)

    xch = xc * 2
    ych = yc * 2
    xr = jnp.round(xch)
    yr = jnp.round(ych)
    oob = ((xr < 0) | (xr >= W2) | (yr < 0) | (yr >= H2)
           | (absz < 0.1) | (absz > 100.0) | (cf <= 0))
    valid = jnp.logical_not(oob)
    xi = jnp.clip(xr, 0, W2 - 1).astype(jnp.int32)
    yi = jnp.clip(yr, 0, H2 - 1).astype(jnp.int32)
    p = ((yi & 1) << 1) | (xi & 1)
    pr = (H - 1) - (yi >> 1)
    pcol = xi >> 1
    sloc = (pr * 4 + p) * W + pcol
    sloc_ref[0] = jnp.where(valid, sloc, NSENT)


def _sc_scatter_body(sloc_hbm, conf_hbm, cout_hbm, iout_hbm,
                     cbuf, ibuf, slbuf, cfbuf, slbuf2, cfbuf2, sem, sem2):
    wid = lax.axis_index("c") * 16 + lax.axis_index("s")
    r0 = wid * BAND
    lo = r0 * (4 * W)
    hi = lo + BAND * 4 * W
    zf = jnp.zeros((16,), jnp.float32)
    zneg = jnp.full((16,), -1, jnp.int32)
    lanes = lax.iota(jnp.int32, 16)

    @pl.loop(0, 4)
    def _batch(bi):
        pltpu.async_copy(sloc_hbm.at[bi, pl.ds(0, SCH)], slbuf, sem)
        pltpu.async_copy(conf_hbm.at[bi, pl.ds(0, SCH)], cfbuf, sem)

        @pl.loop(0, 4)
        def _mp(p_):
            @pl.loop(0, BAND)
            def _mr(r_):
                @pl.loop(0, W // 16)
                def _mc(c_):
                    cbuf[p_, r_, pl.ds(c_ * 16, 16)] = zf
                    ibuf[p_, r_, pl.ds(c_ * 16, 16)] = zneg

        def _do_chunk(base, slb, cfb):
            @pl.loop(0, SCH // 16)
            def _vec(v):
                sl = slb[pl.ds(v * 16, 16)]
                cf = cfb[pl.ds(v * 16, 16)]
                m = (sl >= lo) & (sl < hi)
                idxv = base + v * 16 + lanes
                sls = jnp.where(m, sl - lo, 0)
                pv = (sls >> 9) & 3
                lr = sls >> 11
                pc_ = sls & 511
                idxs3 = [pv, lr, pc_]
                plsc.store_scatter(ibuf, idxs3, idxv, mask=m)
                plsc.store_scatter(cbuf, idxs3, cf, mask=m)

        @pl.loop(0, 131072 // (2 * SCH))
        def _chunk(c):
            base = c * 2 * SCH
            pltpu.async_copy(sloc_hbm.at[bi, pl.ds(base + SCH, SCH)],
                             slbuf2, sem2)
            pltpu.async_copy(conf_hbm.at[bi, pl.ds(base + SCH, SCH)],
                             cfbuf2, sem2)
            pltpu.make_async_copy(sloc_hbm.at[bi, pl.ds(0, SCH)], slbuf,
                                  sem).wait()
            pltpu.make_async_copy(conf_hbm.at[bi, pl.ds(0, SCH)], cfbuf,
                                  sem).wait()
            _do_chunk(base, slbuf, cfbuf)
            nxt = base + 2 * SCH

            @pl.when(nxt < 131072)
            def _():
                pltpu.async_copy(sloc_hbm.at[bi, pl.ds(nxt, SCH)], slbuf, sem)
                pltpu.async_copy(conf_hbm.at[bi, pl.ds(nxt, SCH)], cfbuf, sem)

            pltpu.make_async_copy(sloc_hbm.at[bi, pl.ds(0, SCH)], slbuf2,
                                  sem2).wait()
            pltpu.make_async_copy(conf_hbm.at[bi, pl.ds(0, SCH)], cfbuf2,
                                  sem2).wait()
            _do_chunk(base + SCH, slbuf2, cfbuf2)

        for p_ in range(4):
            pltpu.sync_copy(cbuf.at[p_], cout_hbm.at[bi, p_, pl.ds(r0, BAND)])
            pltpu.sync_copy(ibuf.at[p_], iout_hbm.at[bi, p_, pl.ds(r0, BAND)])


def _sc_gather_body(beta_hbm, nbr_hbm, wts_hbm, out_hbm,
                    i0, i1, i2, i3, w0, w1, w2, w3, g0, g1, g2, g3,
                    obuf, bstage, sem, gsem):
    sid = lax.axis_index("s")
    wid = lax.axis_index("c") * 16 + sid
    base = wid * CH
    ibufs = [i0, i1, i2, i3]
    wbufs = [w0, w1, w2, w3]
    gbufs = [g0, g1, g2, g3]

    @pl.when(sid < 4)
    def _():
        pltpu.sync_copy(beta_hbm.at[sid],
                        bstage.at[pl.ds(sid * (H * W), H * W)])

    plsc.subcore_barrier()

    @pl.loop(0, 4)
    def _batch(bi):
        icps = [pltpu.async_copy(nbr_hbm.at[bi, j, pl.ds(base, CH)],
                                 ibufs[j], sem) for j in range(4)]
        wcps = [pltpu.async_copy(wts_hbm.at[bi, j, pl.ds(base, CH)],
                                 wbufs[j], sem) for j in range(4)]
        for cp in icps:
            cp.wait()
        cps = [pltpu.async_copy(bstage.at[ibufs[j]], gbufs[j], gsem)
               for j in range(4)]
        for cp in wcps:
            cp.wait()
        for cp in cps:
            cp.wait()

        @pl.loop(0, CH // 16)
        def _vec(v):
            s = pl.ds(v * 16, 16)
            acc = ((w0[s] * g0[s] + w1[s] * g1[s])
                   + w2[s] * g2[s]) + w3[s] * g3[s]
            obuf[s] = acc

        pltpu.sync_copy(obuf, out_hbm.at[bi, pl.ds(base, CH)])


def _pool_body(cpl_ref, ipl_ref, alpha_ref, match_ref, src_ref):
    a = alpha_ref[0, 0]
    A = a > 0.0
    bv = None
    for p_ in range(4):
        Cp = cpl_ref[0, p_]
        Ip = ipl_ref[0, p_]
        k = A & (Cp > 0.0)
        v = jnp.where(k, Cp, 0.0)
        im = jnp.where(k, Ip, -1)
        if p_ == 0:
            bv, bi_, anyk = v, im, k
        else:
            upd = v > bv
            bv = jnp.where(upd, v, bv)
            bi_ = jnp.where(upd, im, bi_)
            anyk = anyk | k
    match_ref[0, 0] = anyk.astype(jnp.float32)
    src_ref[0, 0] = bi_


def kernel(alpha, beta, pp, conf, pose_w2c, K, h, w):
    b = pp.shape[0]
    n = pp.shape[2]
    h, w = alpha.shape[-2], alpha.shape[-1]
    f32 = jnp.float32
    i32 = jnp.int32

    pc = jnp.einsum('bij,bjn->bin', pose_w2c, pp[:, :4, :])
    par = jnp.stack([K[:, 0, 0], K[:, 0, 2], K[:, 1, 1], K[:, 1, 2]],
                    axis=1).reshape(b, 1, 4)
    conf3 = conf.reshape(b, 1, n)

    grid = (b, n // PREP_NC)
    sloc3, nbr, wts = pl.pallas_call(
        _prep_body,
        grid=grid,
        in_specs=[
            pl.BlockSpec((1, 4, PREP_NC), lambda bi, j: (bi, 0, j)),
            pl.BlockSpec((1, 1, PREP_NC), lambda bi, j: (bi, 0, j)),
            pl.BlockSpec((1, 1, 4), lambda bi, j: (bi, 0, 0)),
        ],
        out_specs=[
            pl.BlockSpec((1, 1, PREP_NC), lambda bi, j: (bi, 0, j)),
            pl.BlockSpec((1, 4, PREP_NC), lambda bi, j: (bi, 0, j)),
            pl.BlockSpec((1, 4, PREP_NC), lambda bi, j: (bi, 0, j)),
        ],
        out_shape=[
            jax.ShapeDtypeStruct((b, 1, n), i32),
            jax.ShapeDtypeStruct((b, 4, n), i32),
            jax.ShapeDtypeStruct((b, 4, n), f32),
        ],
    )(pc, conf3, par)
    sloc = sloc3.reshape(b, n)

    mesh = plsc.VectorSubcoreMesh(core_axis_name="c", subcore_axis_name="s",
                                  num_cores=2, num_subcores=16)
    sc_cp = pltpu.CompilerParams()
    if "needs_layout_passes" in pltpu.CompilerParams.__dataclass_fields__:
        sc_cp = dataclasses.replace(sc_cp, needs_layout_passes=False)

    sc_scatter = pl.kernel(
        _sc_scatter_body,
        out_type=[jax.ShapeDtypeStruct((b, 4, H, W), f32),
                  jax.ShapeDtypeStruct((b, 4, H, W), i32)],
        mesh=mesh,
        scratch_types=[
            pltpu.VMEM((4, BAND, W), f32),
            pltpu.VMEM((4, BAND, W), i32),
            pltpu.VMEM((SCH,), i32),
            pltpu.VMEM((SCH,), f32),
            pltpu.VMEM((SCH,), i32),
            pltpu.VMEM((SCH,), f32),
            pltpu.SemaphoreType.DMA,
            pltpu.SemaphoreType.DMA,
        ],
        compiler_params=sc_cp,
    )
    cplanes, iplanes = sc_scatter(sloc, conf)

    sc_gather = pl.kernel(
        _sc_gather_body,
        out_type=jax.ShapeDtypeStruct((b, n), f32),
        mesh=mesh,
        scratch_types=(
            [pltpu.VMEM((CH,), i32)] * 4
            + [pltpu.VMEM((CH,), f32)] * 4
            + [pltpu.VMEM((CH,), f32)] * 4
            + [pltpu.VMEM((CH,), f32),
               pltpu.VMEM_SHARED((4 * H * W,), f32),
               pltpu.SemaphoreType.DMA,
               pltpu.SemaphoreType.DMA]
        ),
        compiler_params=sc_cp,
    )
    conf_sampled = sc_gather(beta.reshape(b, h * w), nbr, wts)

    R = 256
    match, src = pl.pallas_call(
        _pool_body,
        grid=(b, H // R),
        in_specs=[
            pl.BlockSpec((1, 4, R, W), lambda bi, rj: (bi, 0, rj, 0)),
            pl.BlockSpec((1, 4, R, W), lambda bi, rj: (bi, 0, rj, 0)),
            pl.BlockSpec((1, 1, R, W), lambda bi, rj: (bi, 0, rj, 0)),
        ],
        out_specs=[
            pl.BlockSpec((1, 1, R, W), lambda bi, rj: (bi, 0, rj, 0)),
            pl.BlockSpec((1, 1, R, W), lambda bi, rj: (bi, 0, rj, 0)),
        ],
        out_shape=[
            jax.ShapeDtypeStruct((b, 1, H, W), f32),
            jax.ShapeDtypeStruct((b, 1, H, W), i32),
        ],
    )(cplanes, iplanes, alpha)

    return (match, src, conf_sampled.reshape(b, 1, n))

# --- scband reference (transcript-rebuilt; emitter-appended) ---
"""Pipeline reference for scband-match-21466246545847 (READ-ONLY COPY).

The authoritative reference and input builder live on the scoring server;
editing this copy changes nothing except your own understanding.
"""

import jax, jax.numpy as jnp
import numpy as np


def _bilinear(img2d, ix, iy):
    H, W = img2d.shape
    x0 = jnp.floor(ix); y0 = jnp.floor(iy)
    x1 = x0 + 1.0; y1 = y0 + 1.0
    wx1 = ix - x0; wx0 = 1.0 - wx1
    wy1 = iy - y0; wy0 = 1.0 - wy1
    def g(xi, yi):
        valid = (xi >= 0) & (xi <= W - 1) & (yi >= 0) & (yi <= H - 1)
        xc = jnp.clip(xi, 0, W - 1).astype(jnp.int32)
        yc = jnp.clip(yi, 0, H - 1).astype(jnp.int32)
        return img2d[yc, xc] * valid.astype(img2d.dtype)
    return (wy0 * wx0 * g(x0, y0) + wy0 * wx1 * g(x1, y0)
            + wy1 * wx0 * g(x0, y1) + wy1 * wx1 * g(x1, y1))


def _maxpool2_with_idx(xmap, h, w, wsz):
    W2 = w * wsz
    arr = xmap.reshape(h, wsz, w, wsz).transpose(0, 2, 1, 3).reshape(h, w, wsz * wsz)
    vals = jnp.max(arr, axis=-1)
    loc = jnp.argmax(arr, axis=-1)
    dy = loc // wsz
    dx = loc % wsz
    rows = jnp.arange(h)[:, None] * wsz + dy
    cols = jnp.arange(w)[None, :] * wsz + dx
    return vals, rows * W2 + cols


def _forward(alpha, beta, pp, conf, pose_w2c, K, h, w, znear=0.1, zfar=100.0):
    wsz = 2
    b = pp.shape[0]; n = pp.shape[2]
    h = alpha.shape[-2]; w = alpha.shape[-1]
    pc = jnp.einsum('bij,bjn->bin', pose_w2c, pp[:, :4, :])
    absz = jnp.abs(pc[:, 2, :])
    xc = pc[:, 0, :] * K[:, 0, 0][:, None] / absz + K[:, 0, 2][:, None]
    yc = pc[:, 1, :] * K[:, 1, 1][:, None] / absz + K[:, 1, 2][:, None]
    z = absz
    x_norm = xc / float(w - 1) * 2.0 - 1.0
    y_norm = -(yc / float(h - 1) * 2.0 - 1.0)
    ix = (x_norm + 1.0) * 0.5 * (w - 1)
    iy = (y_norm + 1.0) * 0.5 * (h - 1)
    conf_sampled = jnp.stack([_bilinear(beta[bi, 0], ix[bi], iy[bi]) for bi in range(b)], 0).reshape(b, 1, n)
    xch = xc * wsz; ych = yc * wsz
    alpha_ = jnp.flip(jnp.repeat(jnp.repeat(alpha, wsz, axis=-1), wsz, axis=-2), axis=-2)
    xr = jnp.round(xch); yr = jnp.round(ych)
    H2 = h * wsz; W2 = w * wsz
    oob = ((xr < 0) | (xr >= W2) | (yr < 0) | (yr >= H2)
           | (z < znear) | (z > zfar) | (conf <= 0))
    valid = jnp.logical_not(oob)
    xi = jnp.clip(xr, 0, W2 - 1).astype(jnp.int32)
    yi = jnp.clip(yr, 0, H2 - 1).astype(jnp.int32)
    flat = jnp.where(valid, yi * W2 + xi, H2 * W2)
    idx_arange = jnp.arange(n, dtype=jnp.int32)
    matches = []
    src_idxs = []
    for bi in range(b):
        cmap_hi = jnp.zeros(H2 * W2, dtype=conf.dtype).at[flat[bi]].set(conf[bi], mode='drop').reshape(H2, W2)
        idx_hi = jnp.full((H2 * W2,), -1, dtype=jnp.int32).at[flat[bi]].set(idx_arange, mode='drop').reshape(H2, W2)
        keep = (alpha_[bi, 0] > 0) & (cmap_hi > 0)
        _, cmax_indices = _maxpool2_with_idx(cmap_hi * keep.astype(cmap_hi.dtype), h, w, wsz)
        idx_hi = jnp.where(keep, idx_hi, -1)
        idx_ = idx_hi.reshape(-1)[cmax_indices]
        keep_pooled, _ = _maxpool2_with_idx(keep.astype(jnp.float32), h, w, wsz)
        matches.append(jnp.flip(keep_pooled, axis=0))
        src_idxs.append(jnp.flip(idx_, axis=0))
    match = jnp.stack(matches, 0)[:, None]
    match_src_idx = jnp.stack(src_idxs, 0)[:, None]
    return (match, match_src_idx, conf_sampled)


def setup_inputs(seed: int = 0) -> dict:
    key = jax.random.key(seed)
    ks = jax.random.split(key, 6)
    b, n, h, w = 4, 131072, 512, 512
    alpha = jax.random.normal(ks[0], (b, 1, h, w), dtype=jnp.float32)
    beta = jax.random.normal(ks[1], (b, 1, h, w), dtype=jnp.float32)
    pp = jax.random.normal(ks[2], (b, 7, n), dtype=jnp.float32)
    conf = jax.random.normal(ks[3], (b, n), dtype=jnp.float32)
    pose_w2c = jax.random.normal(ks[4], (b, 4, 4), dtype=jnp.float32)
    K = jax.random.normal(ks[5], (b, 3, 3), dtype=jnp.float32)
    return {"alpha": alpha, "beta": beta, "pp": pp, "conf": conf,
            "pose_w2c": pose_w2c, "K": K, "h": h, "w": w}


def reference(alpha, beta, pp, conf, pose_w2c, K, h, w):
    return _forward(alpha, beta, pp, conf, pose_w2c, K, h, w)

if __name__ == "__main__":
    import jax
    _d = setup_inputs()
    print(jax.jit(kernel)(*tuple(_d.values())))

</pallas_src>

<mosaic_0001>
#map = affine_map<(d0, d1) -> (0, 0)>
#map1 = affine_map<(d0, d1) -> (0, 0, 0, 0)>
module attributes {stable_mosaic.version = 14 : i64} {
  func.func @_sc_scatter_body(%arg0: i32, %arg1: i32, %arg2: memref<4x131072xi32, #tpu.memory_space<hbm>>, %arg3: memref<4x131072xf32, #tpu.memory_space<hbm>>, %arg4: memref<4x4x512x512xf32, #tpu.memory_space<hbm>>, %arg5: memref<4x4x512x512xi32, #tpu.memory_space<hbm>>, %arg6: memref<4x16x512xf32, #tpu.memory_space<vmem>>, %arg7: memref<4x16x512xi32, #tpu.memory_space<vmem>>, %arg8: memref<8192xi32, #tpu.memory_space<vmem>>, %arg9: memref<8192xf32, #tpu.memory_space<vmem>>, %arg10: memref<8192xi32, #tpu.memory_space<vmem>>, %arg11: memref<8192xf32, #tpu.memory_space<vmem>>, %arg12: memref<!tpu.dma_semaphore, #tpu.memory_space<semaphore_mem>>, %arg13: memref<!tpu.dma_semaphore, #tpu.memory_space<semaphore_mem>>) attributes {dimension_semantics = [#tpu.dimension_semantics<core_parallel>, #tpu.dimension_semantics<subcore_parallel>], iteration_bounds = array<i64: 2, 16>, scalar_prefetch = 0 : i64, scratch_operands = 8 : i64, tpu.core_type = #tpu.core_type<sc_vector_subcore>, window_params = [{transform_indices = #map}, {transform_indices = #map}, {transform_indices = #map1}, {transform_indices = #map1}]} {
    %mul3A = arith.constant 16 : i32
    %mul3A_0 = arith.muli %arg0, %mul3A : i32
    %add3A = arith.addi %mul3A_0, %arg1 : i32
    %mul3A_1 = arith.constant 16 : i32
    %mul3A_2 = arith.muli %add3A, %mul3A_1 : i32
    %mul3A_3 = arith.constant 2048 : i32
    %mul3A_4 = arith.muli %mul3A_2, %mul3A_3 : i32
    %add3A_5 = arith.constant 32768 : i32
    %add3A_6 = arith.addi %mul3A_4, %add3A_5 : i32
    %broadcast_in_dim3A = arith.constant 0.000000e+00 : f32
    %broadcast_in_dim3A_7 = vector.broadcast %broadcast_in_dim3A : f32 to vector<16xf32>
    %broadcast_in_dim3A_8 = arith.constant -1 : i32
    %broadcast_in_dim3A_9 = vector.broadcast %broadcast_in_dim3A_8 : i32 to vector<16xi32>
    %iota3A = tpu.iota {dimensions = array<i32: 0>} : vector<16xi32>
    %scan3A = arith.constant 0 : i32
    %scan3A_10 = arith.constant 4 : i32
    %scan3A_11 = arith.addi %scan3A, %scan3A_10 : i32
    %scan3A_12 = arith.constant 1 : i32
    scf.for %scan3A_14 = %scan3A to %scan3A_11 step %scan3A_12  : i32 {
      %mul3A_15 = arith.constant 1 : i32
      %mul3A_16 = arith.muli %scan3A_14, %mul3A_15 : i32
      %add3A_17 = arith.constant 0 : i32
      %add3A_18 = arith.addi %add3A_17, %mul3A_16 : i32
      %dma_start3A = arith.constant 0 : i32
      %dma_start3A_19 = tpu.memref_slice %arg2[%add3A_18, %dma_start3A] : memref<4x131072xi32, #tpu.memory_space<hbm>> -> memref<1x8192xi32, #tpu.memory_space<hbm>>
      %dma_start3A_20 = tpu.memref_squeeze %dma_start3A_19 : memref<1x8192xi32, #tpu.memory_space<hbm>> -> memref<8192xi32, #tpu.memory_space<hbm>>
      %dma_start3A_21 = arith.constant 0 : i32
      %dma_start3A_22 = tpu.memref_slice %arg2[%add3A_18, %dma_start3A_21] : memref<4x131072xi32, #tpu.memory_space<hbm>> -> memref<1x8192xi32, #tpu.memory_space<hbm>>
      %dma_start3A_23 = tpu.memref_squeeze %dma_start3A_22 : memref<1x8192xi32, #tpu.memory_space<hbm>> -> memref<8192xi32, #tpu.memory_space<hbm>>
      tpu.enqueue_dma source(%dma_start3A_23 : memref<8192xi32, #tpu.memory_space<hbm>>) target(%arg8 : memref<8192xi32, #tpu.memory_space<vmem>>) target_semaphore(%arg12 : memref<!tpu.dma_semaphore, #tpu.memory_space<semaphore_mem>>)
      %dma_start3A_24 = arith.constant 0 : i32
      %dma_start3A_25 = tpu.memref_slice %arg3[%add3A_18, %dma_start3A_24] : memref<4x131072xf32, #tpu.memory_space<hbm>> -> memref<1x8192xf32, #tpu.memory_space<hbm>>
      %dma_start3A_26 = tpu.memref_squeeze %dma_start3A_25 : memref<1x8192xf32, #tpu.memory_space<hbm>> -> memref<8192xf32, #tpu.memory_space<hbm>>
      %dma_start3A_27 = arith.constant 0 : i32
      %dma_start3A_28 = tpu.memref_slice %arg3[%add3A_18, %dma_start3A_27] : memref<4x131072xf32, #tpu.memory_space<hbm>> -> memref<1x8192xf32, #tpu.memory_space<hbm>>
      %dma_start3A_29 = tpu.memref_squeeze %dma_start3A_28 : memref<1x8192xf32, #tpu.memory_space<hbm>> -> memref<8192xf32, #tpu.memory_space<hbm>>
      tpu.enqueue_dma source(%dma_start3A_29 : memref<8192xf32, #tpu.memory_space<hbm>>) target(%arg9 : memref<8192xf32, #tpu.memory_space<vmem>>) target_semaphore(%arg12 : memref<!tpu.dma_semaphore, #tpu.memory_space<semaphore_mem>>)
      %scan3A_30 = arith.constant 0 : i32
      %scan3A_31 = arith.constant 4 : i32
      %scan3A_32 = arith.addi %scan3A_30, %scan3A_31 : i32
      %scan3A_33 = arith.constant 1 : i32
      scf.for %scan3A_55 = %scan3A_30 to %scan3A_32 step %scan3A_33  : i32 {
        %mul3A_56 = arith.constant 1 : i32
        %mul3A_57 = arith.muli %scan3A_55, %mul3A_56 : i32
        %add3A_58 = arith.constant 0 : i32
        %add3A_59 = arith.addi %add3A_58, %mul3A_57 : i32
        %scan3A_60 = arith.constant 0 : i32
        %scan3A_61 = arith.constant 16 : i32
        %scan3A_62 = arith.addi %scan3A_60, %scan3A_61 : i32
        %scan3A_63 = arith.constant 1 : i32
        scf.for %scan3A_65 = %scan3A_60 to %scan3A_62 step %scan3A_63  : i32 {
          %mul3A_66 = arith.constant 1 : i32
          %mul3A_67 = arith.muli %scan3A_65, %mul3A_66 : i32
          %add3A_68 = arith.constant 0 : i32
          %add3A_69 = arith.addi %add3A_68, %mul3A_67 : i32
          %scan3A_70 = arith.constant 0 : i32
          %scan3A_71 = arith.constant 32 : i32
          %scan3A_72 = arith.addi %scan3A_70, %scan3A_71 : i32
          %scan3A_73 = arith.constant 1 : i32
          scf.for %scan3A_75 = %scan3A_70 to %scan3A_72 step %scan3A_73  : i32 {
            %mul3A_76 = arith.constant 1 : i32
            %mul3A_77 = arith.muli %scan3A_75, %mul3A_76 : i32
            %add3A_78 = arith.constant 0 : i32
            %add3A_79 = arith.addi %add3A_78, %mul3A_77 : i32
            %mul3A_80 = arith.constant 16 : i32
            %mul3A_81 = arith.muli %add3A_79, %mul3A_80 : i32
            %swap3A = arith.index_cast %add3A_59 : i32 to index
            %swap3A_82 = arith.index_cast %add3A_69 : i32 to index
            %swap3A_83 = arith.index_cast %mul3A_81 : i32 to index
            %swap3A_84 = tpu.vector_load %arg6[%swap3A, %swap3A_82, %swap3A_83] {strides = array<i32>} : memref<4x16x512xf32, #tpu.memory_space<vmem>>, vector<16xf32>,
            tpu.vector_store %arg6[%swap3A, %swap3A_82, %swap3A_83], %broadcast_in_dim3A_7 {strides = array<i32>} : memref<4x16x512xf32, #tpu.memory_space<vmem>>, vector<16xf32>,
            %mul3A_85 = arith.constant 16 : i32
            %mul3A_86 = arith.muli %add3A_79, %mul3A_85 : i32
            %swap3A_87 = arith.index_cast %add3A_59 : i32 to index
            %swap3A_88 = arith.index_cast %add3A_69 : i32 to index
            %swap3A_89 = arith.index_cast %mul3A_86 : i32 to index
            %swap3A_90 = tpu.vector_load %arg7[%swap3A_87, %swap3A_88, %swap3A_89] {strides = array<i32>} : memref<4x16x512xi32, #tpu.memory_space<vmem>>, vector<16xi32>,
            tpu.vector_store %arg7[%swap3A_87, %swap3A_88, %swap3A_89], %broadcast_in_dim3A_9 {strides = array<i32>} : memref<4x16x512xi32, #tpu.memory_space<vmem>>, vector<16xi32>,
          }
          %scan3A_74 = arith.constant 32 : i32
        }
        %scan3A_64 = arith.constant 16 : i32
      }
      %scan3A_34 = arith.constant 4 : i32
      %scan3A_35 = arith.constant 0 : i32
      %scan3A_36 = arith.constant 8 : i32
      %scan3A_37 = arith.addi %scan3A_35, %scan3A_36 : i32
      %scan3A_38 = arith.constant 1 : i32
      scf.for %scan3A_55 = %scan3A_35 to %scan3A_37 step %scan3A_38  : i32 {
        %mul3A_56 = arith.constant 1 : i32
        %mul3A_57 = arith.muli %scan3A_55, %mul3A_56 : i32
        %add3A_58 = arith.constant 0 : i32
        %add3A_59 = arith.addi %add3A_58, %mul3A_57 : i32
        %mul3A_60 = arith.constant 2 : i32
        %mul3A_61 = arith.muli %add3A_59, %mul3A_60 : i32
        %mul3A_62 = arith.constant 8192 : i32
        %mul3A_63 = arith.muli %mul3A_61, %mul3A_62 : i32
        %add3A_64 = arith.constant 8192 : i32
        %add3A_65 = arith.addi %mul3A_63, %add3A_64 : i32
        %dma_start3A_66 = tpu.memref_slice %arg2[%add3A_18, %add3A_65] : memref<4x131072xi32, #tpu.memory_space<hbm>> -> memref<1x8192xi32, #tpu.memory_space<hbm>>
        %dma_start3A_67 = tpu.memref_squeeze %dma_start3A_66 : memref<1x8192xi32, #tpu.memory_space<hbm>> -> memref<8192xi32, #tpu.memory_space<hbm>>
        %dma_start3A_68 = tpu.memref_slice %arg2[%add3A_18, %add3A_65] : memref<4x131072xi32, #tpu.memory_space<hbm>> -> memref<1x8192xi32, #tpu.memory_space<hbm>>
        %dma_start3A_69 = tpu.memref_squeeze %dma_start3A_68 : memref<1x8192xi32, #tpu.memory_space<hbm>> -> memref<8192xi32, #tpu.memory_space<hbm>>
        tpu.enqueue_dma source(%dma_start3A_69 : memref<8192xi32, #tpu.memory_space<hbm>>) target(%arg10 : memref<8192xi32, #tpu.memory_space<vmem>>) target_semaphore(%arg13 : memref<!tpu.dma_semaphore, #tpu.memory_space<semaphore_mem>>)
        %add3A_70 = arith.constant 8192 : i32
        %add3A_71 = arith.addi %mul3A_63, %add3A_70 : i32
        %dma_start3A_72 = tpu.memref_slice %arg3[%add3A_18, %add3A_71] : memref<4x131072xf32, #tpu.memory_space<hbm>> -> memref<1x8192xf32, #tpu.memory_space<hbm>>
        %dma_start3A_73 = tpu.memref_squeeze %dma_start3A_72 : memref<1x8192xf32, #tpu.memory_space<hbm>> -> memref<8192xf32, #tpu.memory_space<hbm>>
        %dma_start3A_74 = tpu.memref_slice %arg3[%add3A_18, %add3A_71] : memref<4x131072xf32, #tpu.memory_space<hbm>> -> memref<1x8192xf32, #tpu.memory_space<hbm>>
        %dma_start3A_75 = tpu.memref_squeeze %dma_start3A_74 : memref<1x8192xf32, #tpu.memory_space<hbm>> -> memref<8192xf32, #tpu.memory_space<hbm>>
        tpu.enqueue_dma source(%dma_start3A_75 : memref<8192xf32, #tpu.memory_space<hbm>>) target(%arg11 : memref<8192xf32, #tpu.memory_space<vmem>>) target_semaphore(%arg13 : memref<!tpu.dma_semaphore, #tpu.memory_space<semaphore_mem>>)
        %dma_wait3A = arith.constant 0 : i32
        %dma_wait3A_76 = tpu.memref_slice %arg2[%add3A_18, %dma_wait3A] : memref<4x131072xi32, #tpu.memory_space<hbm>> -> memref<1x8192xi32, #tpu.memory_space<hbm>>
        %dma_wait3A_77 = tpu.memref_squeeze %dma_wait3A_76 : memref<1x8192xi32, #tpu.memory_space<hbm>> -> memref<8192xi32, #tpu.memory_space<hbm>>
        %dma_wait3A_78 = arith.constant 0 : i32
        %dma_wait3A_79 = tpu.memref_slice %arg2[%add3A_18, %dma_wait3A_78] : memref<4x131072xi32, #tpu.memory_space<hbm>> -> memref<1x8192xi32, #tpu.memory_space<hbm>>
        %dma_wait3A_80 = tpu.memref_squeeze %dma_wait3A_79 : memref<1x8192xi32, #tpu.memory_space<hbm>> -> memref<8192xi32, #tpu.memory_space<hbm>>
        tpu.wait_dma2 semaphore(%arg12 : memref<!tpu.dma_semaphore, #tpu.memory_space<semaphore_mem>>) src(%dma_wait3A_80 : memref<8192xi32, #tpu.memory_space<hbm>>) dst(%arg8 : memref<8192xi32, #tpu.memory_space<vmem>>)
        %dma_wait3A_81 = arith.constant 0 : i32
        %dma_wait3A_82 = tpu.memref_slice %arg3[%add3A_18, %dma_wait3A_81] : memref<4x131072xf32, #tpu.memory_space<hbm>> -> memref<1x8192xf32, #tpu.memory_space<hbm>>
        %dma_wait3A_83 = tpu.memref_squeeze %dma_wait3A_82 : memref<1x8192xf32, #tpu.memory_space<hbm>> -> memref<8192xf32, #tpu.memory_space<hbm>>
        %dma_wait3A_84 = arith.constant 0 : i32
        %dma_wait3A_85 = tpu.memref_slice %arg3[%add3A_18, %dma_wait3A_84] : memref<4x131072xf32, #tpu.memory_space<hbm>> -> memref<1x8192xf32, #tpu.memory_space<hbm>>
        %dma_wait3A_86 = tpu.memref_squeeze %dma_wait3A_85 : memref<1x8192xf32, #tpu.memory_space<hbm>> -> memref<8192xf32, #tpu.memory_space<hbm>>
        tpu.wait_dma2 semaphore(%arg12 : memref<!tpu.dma_semaphore, #tpu.memory_space<semaphore_mem>>) src(%dma_wait3A_86 : memref<8192xf32, #tpu.memory_space<hbm>>) dst(%arg9 : memref<8192xf32, #tpu.memory_space<vmem>>)
        %scan3A_87 = arith.constant 0 : i32
        %scan3A_88 = arith.constant 512 : i32
        %scan3A_89 = arith.addi %scan3A_87, %scan3A_88 : i32
        %scan3A_90 = arith.constant 1 : i32
        scf.for %scan3A_115 = %scan3A_87 to %scan3A_89 step %scan3A_90  : i32 {
          %mul3A_116 = arith.constant 1 : i32
          %mul3A_117 = arith.muli %scan3A_115, %mul3A_116 : i32
          %add3A_118 = arith.constant 0 : i32
          %add3A_119 = arith.addi %add3A_118, %mul3A_117 : i32
          %mul3A_120 = arith.constant 16 : i32
          %mul3A_121 = arith.muli %add3A_119, %mul3A_120 : i32
          %get3A = arith.index_cast %mul3A_121 : i32 to index
          %get3A_122 = tpu.vector_load %arg8[%get3A] {strides = array<i32>} : memref<8192xi32, #tpu.memory_space<vmem>>, vector<16xi32>,
          %mul3A_123 = arith.constant 16 : i32
          %mul3A_124 = arith.muli %add3A_119, %mul3A_123 : i32
          %get3A_125 = arith.index_cast %mul3A_124 : i32 to index
          %get3A_126 = tpu.vector_load %arg9[%get3A_125] {strides = array<i32>} : memref<8192xf32, #tpu.memory_space<vmem>>, vector<16xf32>,
          %ge3A = vector.broadcast %mul3A_4 : i32 to vector<16xi32>
          %ge3A_127 = arith.cmpi sge, %get3A_122, %ge3A : vector<16xi32>
          %lt3A_128 = vector.broadcast %add3A_6 : i32 to vector<16xi32>
          %lt3A_129 = arith.cmpi slt, %get3A_122, %lt3A_128 : vector<16xi32>
          %and3A = arith.andi %ge3A_127, %lt3A_129 : vector<16xi1>
          %mul3A_130 = arith.constant 16 : i32
          %mul3A_131 = arith.muli %add3A_119, %mul3A_130 : i32
          %add3A_132 = arith.addi %mul3A_63, %mul3A_131 : i32
          %add3A_133 = vector.broadcast %add3A_132 : i32 to vector<16xi32>
          %add3A_134 = arith.addi %add3A_133, %iota3A : vector<16xi32>
          %sub3A = vector.broadcast %mul3A_4 : i32 to vector<16xi32>
          %sub3A_135 = arith.subi %get3A_122, %sub3A : vector<16xi32>
          %jit3A = arith.constant 0 : i32
          %broadcast_in_dim3A_136 = vector.broadcast %jit3A : i32 to vector<16xi32>
          %select_n3A = arith.select %and3A, %sub3A_135, %broadcast_in_dim3A_136 : vector<16xi1>, vector<16xi32>
          %shift_right_arithmetic3A = arith.constant 9 : i32
          %shift_right_arithmetic3A_137 = vector.broadcast %shift_right_arithmetic3A : i32 to vector<16xi32>
          %shift_right_arithmetic3A_138 = arith.shrsi %select_n3A, %shift_right_arithmetic3A_137 : vector<16xi32>
          %and3A_139 = arith.constant 3 : i32
          %and3A_140 = vector.broadcast %and3A_139 : i32 to vector<16xi32>
          %and3A_141 = arith.andi %shift_right_arithmetic3A_138, %and3A_140 : vector<16xi32>
          %shift_right_arithmetic3A_142 = arith.constant 11 : i32
          %shift_right_arithmetic3A_143 = vector.broadcast %shift_right_arithmetic3A_142 : i32 to vector<16xi32>
          %shift_right_arithmetic3A_144 = arith.shrsi %select_n3A, %shift_right_arithmetic3A_143 : vector<16xi32>
          %and3A_145 = arith.constant 511 : i32
          %and3A_146 = vector.broadcast %and3A_145 : i32 to vector<16xi32>
          %and3A_147 = arith.andi %select_n3A, %and3A_146 : vector<16xi32>
          tpu.vector_store_idx %arg7[%and3A_141, %shift_right_arithmetic3A_144, %and3A_147], %add3A_134 masked %and3A : memref<4x16x512xi32, #tpu.memory_space<vmem>>[vector<16xi32>, vector<16xi32>, vector<16xi32>], vector<16xi32>, vector<16xi1>
          tpu.vector_store_idx %arg6[%and3A_141, %shift_right_arithmetic3A_144, %and3A_147], %get3A_126 masked %and3A : memref<4x16x512xf32, #tpu.memory_space<vmem>>[vector<16xi32>, vector<16xi32>, vector<16xi32>], vector<16xf32>, vector<16xi1>
        }
        %scan3A_91 = arith.constant 512 : i32
        %add3A_92 = arith.constant 16384 : i32
        %add3A_93 = arith.addi %mul3A_63, %add3A_92 : i32
        %lt3A = arith.constant 131072 : i32
        %lt3A_94 = arith.cmpi slt, %add3A_93, %lt3A : i32
        %convert_element_type3A = arith.extui %lt3A_94 : i1 to i32
        %cond3A = arith.constant 0 : i32
        %cond3A_95 = arith.cmpi ne, %convert_element_type3A, %cond3A : i32
        scf.if %cond3A_95 {
          %dma_start3A_115 = tpu.memref_slice %arg2[%add3A_18, %add3A_93] : memref<4x131072xi32, #tpu.memory_space<hbm>> -> memref<1x8192xi32, #tpu.memory_space<hbm>>
          %dma_start3A_116 = tpu.memref_squeeze %dma_start3A_115 : memref<1x8192xi32, #tpu.memory_space<hbm>> -> memref<8192xi32, #tpu.memory_space<hbm>>
          %dma_start3A_117 = tpu.memref_slice %arg2[%add3A_18, %add3A_93] : memref<4x131072xi32, #tpu.memory_space<hbm>> -> memref<1x8192xi32, #tpu.memory_space<hbm>>
          %dma_start3A_118 = tpu.memref_squeeze %dma_start3A_117 : memref<1x8192xi32, #tpu.memory_space<hbm>> -> memref<8192xi32, #tpu.memory_space<hbm>>
          tpu.enqueue_dma source(%dma_start3A_118 : memref<8192xi32, #tpu.memory_space<hbm>>) target(%arg8 : memref<8192xi32, #tpu.memory_space<vmem>>) target_semaphore(%arg12 : memref<!tpu.dma_semaphore, #tpu.memory_space<semaphore_mem>>)
          %dma_start3A_119 = tpu.memref_slice %arg3[%add3A_18, %add3A_93] : memref<4x131072xf32, #tpu.memory_space<hbm>> -> memref<1x8192xf32, #tpu.memory_space<hbm>>
          %dma_start3A_120 = tpu.memref_squeeze %dma_start3A_119 : memref<1x8192xf32, #tpu.memory_space<hbm>> -> memref<8192xf32, #tpu.memory_space<hbm>>
          %dma_start3A_121 = tpu.memref_slice %arg3[%add3A_18, %add3A_93] : memref<4x131072xf32, #tpu.memory_space<hbm>> -> memref<1x8192xf32, #tpu.memory_space<hbm>>
          %dma_start3A_122 = tpu.memref_squeeze %dma_start3A_121 : memref<1x8192xf32, #tpu.memory_space<hbm>> -> memref<8192xf32, #tpu.memory_space<hbm>>
          tpu.enqueue_dma source(%dma_start3A_122 : memref<8192xf32, #tpu.memory_space<hbm>>) target(%arg9 : memref<8192xf32, #tpu.memory_space<vmem>>) target_semaphore(%arg12 : memref<!tpu.dma_semaphore, #tpu.memory_space<semaphore_mem>>)
        } else {
        }
        %dma_wait3A_96 = arith.constant 0 : i32
        %dma_wait3A_97 = tpu.memref_slice %arg2[%add3A_18, %dma_wait3A_96] : memref<4x131072xi32, #tpu.memory_space<hbm>> -> memref<1x8192xi32, #tpu.memory_space<hbm>>
        %dma_wait3A_98 = tpu.memref_squeeze %dma_wait3A_97 : memref<1x8192xi32, #tpu.memory_space<hbm>> -> memref<8192xi32, #tpu.memory_space<hbm>>
        %dma_wait3A_99 = arith.constant 0 : i32
        %dma_wait3A_100 = tpu.memref_slice %arg2[%add3A_18, %dma_wait3A_99] : memref<4x131072xi32, #tpu.memory_space<hbm>> -> memref<1x8192xi32, #tpu.memory_space<hbm>>
        %dma_wait3A_101 = tpu.memref_squeeze %dma_wait3A_100 : memref<1x8192xi32, #tpu.memory_space<hbm>> -> memref<8192xi32, #tpu.memory_space<hbm>>
        tpu.wait_dma2 semaphore(%arg13 : memref<!tpu.dma_semaphore, #tpu.memory_space<semaphore_mem>>) src(%dma_wait3A_101 : memref<8192xi32, #tpu.memory_space<hbm>>) dst(%arg10 : memref<8192xi32, #tpu.memory_space<vmem>>)
        %dma_wait3A_102 = arith.constant 0 : i32
        %dma_wait3A_103 = tpu.memref_slice %arg3[%add3A_18, %dma_wait3A_102] : memref<4x131072xf32, #tpu.memory_space<hbm>> -> memref<1x8192xf32, #tpu.memory_space<hbm>>
        %dma_wait3A_104 = tpu.memref_squeeze %dma_wait3A_103 : memref<1x8192xf32, #tpu.memory_space<hbm>> -> memref<8192xf32, #tpu.memory_space<hbm>>
        %dma_wait3A_105 = arith.constant 0 : i32
        %dma_wait3A_106 = tpu.memref_slice %arg3[%add3A_18, %dma_wait3A_105] : memref<4x131072xf32, #tpu.memory_space<hbm>> -> memref<1x8192xf32, #tpu.memory_space<hbm>>
        %dma_wait3A_107 = tpu.memref_squeeze %dma_wait3A_106 : memref<1x8192xf32, #tpu.memory_space<hbm>> -> memref<8192xf32, #tpu.memory_space<hbm>>
        tpu.wait_dma2 semaphore(%arg13 : memref<!tpu.dma_semaphore, #tpu.memory_space<semaphore_mem>>) src(%dma_wait3A_107 : memref<8192xf32, #tpu.memory_space<hbm>>) dst(%arg11 : memref<8192xf32, #tpu.memory_space<vmem>>)
        %add3A_108 = arith.constant 8192 : i32
        %add3A_109 = arith.addi %mul3A_63, %add3A_108 : i32
        %scan3A_110 = arith.constant 0 : i32
        %scan3A_111 = arith.constant 512 : i32
        %scan3A_112 = arith.addi %scan3A_110, %scan3A_111 : i32
        %scan3A_113 = arith.constant 1 : i32
        scf.for %scan3A_115 = %scan3A_110 to %scan3A_112 step %scan3A_113  : i32 {
          %mul3A_116 = arith.constant 1 : i32
          %mul3A_117 = arith.muli %scan3A_115, %mul3A_116 : i32
          %add3A_118 = arith.constant 0 : i32
          %add3A_119 = arith.addi %add3A_118, %mul3A_117 : i32
          %mul3A_120 = arith.constant 16 : i32
          %mul3A_121 = arith.muli %add3A_119, %mul3A_120 : i32
          %get3A = arith.index_cast %mul3A_121 : i32 to index
          %get3A_122 = tpu.vector_load %arg10[%get3A] {strides = array<i32>} : memref<8192xi32, #tpu.memory_space<vmem>>, vector<16xi32>,
          %mul3A_123 = arith.constant 16 : i32
          %mul3A_124 = arith.muli %add3A_119, %mul3A_123 : i32
          %get3A_125 = arith.index_cast %mul3A_124 : i32 to index
          %get3A_126 = tpu.vector_load %arg11[%get3A_125] {strides = array<i32>} : memref<8192xf32, #tpu.memory_space<vmem>>, vector<16xf32>,
          %ge3A = vector.broadcast %mul3A_4 : i32 to vector<16xi32>
          %ge3A_127 = arith.cmpi sge, %get3A_122, %ge3A : vector<16xi32>
          %lt3A_128 = vector.broadcast %add3A_6 : i32 to vector<16xi32>
          %lt3A_129 = arith.cmpi slt, %get3A_122, %lt3A_128 : vector<16xi32>
          %and3A = arith.andi %ge3A_127, %lt3A_129 : vector<16xi1>
          %mul3A_130 = arith.constant 16 : i32
          %mul3A_131 = arith.muli %add3A_119, %mul3A_130 : i32
          %add3A_132 = arith.addi %add3A_109, %mul3A_131 : i32
          %add3A_133 = vector.broadcast %add3A_132 : i32 to vector<16xi32>
          %add3A_134 = arith.addi %add3A_133, %iota3A : vector<16xi32>
          %sub3A = vector.broadcast %mul3A_4 : i32 to vector<16xi32>
          %sub3A_135 = arith.subi %get3A_122, %sub3A : vector<16xi32>
          %jit3A = arith.constant 0 : i32
          %broadcast_in_dim3A_136 = vector.broadcast %jit3A : i32 to vector<16xi32>
          %select_n3A = arith.select %and3A, %sub3A_135, %broadcast_in_dim3A_136 : vector<16xi1>, vector<16xi32>
          %shift_right_arithmetic3A = arith.constant 9 : i32
          %shift_right_arithmetic3A_137 = vector.broadcast %shift_right_arithmetic3A : i32 to vector<16xi32>
          %shift_right_arithmetic3A_138 = arith.shrsi %select_n3A, %shift_right_arithmetic3A_137 : vector<16xi32>
          %and3A_139 = arith.constant 3 : i32
          %and3A_140 = vector.broadcast %and3A_139 : i32 to vector<16xi32>
          %and3A_141 = arith.andi %shift_right_arithmetic3A_138, %and3A_140 : vector<16xi32>
          %shift_right_arithmetic3A_142 = arith.constant 11 : i32
          %shift_right_arithmetic3A_143 = vector.broadcast %shift_right_arithmetic3A_142 : i32 to vector<16xi32>
          %shift_right_arithmetic3A_144 = arith.shrsi %select_n3A, %shift_right_arithmetic3A_143 : vector<16xi32>
          %and3A_145 = arith.constant 511 : i32
          %and3A_146 = vector.broadcast %and3A_145 : i32 to vector<16xi32>
          %and3A_147 = arith.andi %select_n3A, %and3A_146 : vector<16xi32>
          tpu.vector_store_idx %arg7[%and3A_141, %shift_right_arithmetic3A_144, %and3A_147], %add3A_134 masked %and3A : memref<4x16x512xi32, #tpu.memory_space<vmem>>[vector<16xi32>, vector<16xi32>, vector<16xi32>], vector<16xi32>, vector<16xi1>
          tpu.vector_store_idx %arg6[%and3A_141, %shift_right_arithmetic3A_144, %and3A_147], %get3A_126 masked %and3A : memref<4x16x512xf32, #tpu.memory_space<vmem>>[vector<16xi32>, vector<16xi32>, vector<16xi32>], vector<16xf32>, vector<16xi1>
        }
        %scan3A_114 = arith.constant 512 : i32
      }
      %scan3A_39 = arith.constant 8 : i32
      %run_scoped3A = arith.constant 0 : i32
      %run_scoped3A_40 = arith.constant 0 : i32
      "tpu.region"() ({
        %run_scoped3A_55 = tpu.sem_alloc : memref<!tpu.dma_semaphore, #tpu.memory_space<semaphore_mem>>
        %dma_start3A_56 = arith.constant 0 : i32
        %dma_start3A_57 = arith.constant 0 : i32
        %dma_start3A_58 = tpu.memref_slice %arg6[%run_scoped3A, %dma_start3A_56, %dma_start3A_57] : memref<4x16x512xf32, #tpu.memory_space<vmem>> -> memref<1x16x512xf32, #tpu.memory_space<vmem>>
        %dma_start3A_59 = tpu.memref_squeeze %dma_start3A_58 : memref<1x16x512xf32, #tpu.memory_space<vmem>> -> memref<16x512xf32, #tpu.memory_space<vmem>>
        %dma_start3A_60 = arith.constant 0 : i32
        %dma_start3A_61 = tpu.memref_slice %arg4[%add3A_18, %run_scoped3A_40, %mul3A_2, %dma_start3A_60] : memref<4x4x512x512xf32, #tpu.memory_space<hbm>> -> memref<1x1x16x512xf32, #tpu.memory_space<hbm>>
        %dma_start3A_62 = tpu.memref_squeeze %dma_start3A_61 : memref<1x1x16x512xf32, #tpu.memory_space<hbm>> -> memref<16x512xf32, #tpu.memory_space<hbm>>
        %dma_start3A_63 = arith.constant 0 : i32
        %dma_start3A_64 = tpu.memref_slice %arg4[%add3A_18, %run_scoped3A_40, %mul3A_2, %dma_start3A_63] : memref<4x4x512x512xf32, #tpu.memory_space<hbm>> -> memref<1x1x16x512xf32, #tpu.memory_space<hbm>>
        %dma_start3A_65 = tpu.memref_squeeze %dma_start3A_64 : memref<1x1x16x512xf32, #tpu.memory_space<hbm>> -> memref<16x512xf32, #tpu.memory_space<hbm>>
        %dma_start3A_66 = arith.constant 0 : i32
        %dma_start3A_67 = arith.constant 0 : i32
        %dma_start3A_68 = tpu.memref_slice %arg6[%run_scoped3A, %dma_start3A_66, %dma_start3A_67] : memref<4x16x512xf32, #tpu.memory_space<vmem>> -> memref<1x16x512xf32, #tpu.memory_space<vmem>>
        %dma_start3A_69 = tpu.memref_squeeze %dma_start3A_68 : memref<1x16x512xf32, #tpu.memory_space<vmem>> -> memref<16x512xf32, #tpu.memory_space<vmem>>
        tpu.enqueue_dma source(%dma_start3A_69 : memref<16x512xf32, #tpu.memory_space<vmem>>) target(%dma_start3A_65 : memref<16x512xf32, #tpu.memory_space<hbm>>) target_semaphore(%run_scoped3A_55 : memref<!tpu.dma_semaphore, #tpu.memory_space<semaphore_mem>>)
        %dma_wait3A = arith.constant 0 : i32
        %dma_wait3A_70 = arith.constant 0 : i32
        %dma_wait3A_71 = tpu.memref_slice %arg6[%run_scoped3A, %dma_wait3A, %dma_wait3A_70] : memref<4x16x512xf32, #tpu.memory_space<vmem>> -> memref<1x16x512xf32, #tpu.memory_space<vmem>>
        %dma_wait3A_72 = tpu.memref_squeeze %dma_wait3A_71 : memref<1x16x512xf32, #tpu.memory_space<vmem>> -> memref<16x512xf32, #tpu.memory_space<vmem>>
        %dma_wait3A_73 = arith.constant 0 : i32
        %dma_wait3A_74 = tpu.memref_slice %arg4[%add3A_18, %run_scoped3A_40, %mul3A_2, %dma_wait3A_73] : memref<4x4x512x512xf32, #tpu.memory_space<hbm>> -> memref<1x1x16x512xf32, #tpu.memory_space<hbm>>
        %dma_wait3A_75 = tpu.memref_squeeze %dma_wait3A_74 : memref<1x1x16x512xf32, #tpu.memory_space<hbm>> -> memref<16x512xf32, #tpu.memory_space<hbm>>
        %dma_wait3A_76 = arith.constant 0 : i32
        %dma_wait3A_77 = tpu.memref_slice %arg4[%add3A_18, %run_scoped3A_40, %mul3A_2, %dma_wait3A_76] : memref<4x4x512x512xf32, #tpu.memory_space<hbm>> -> memref<1x1x16x512xf32, #tpu.memory_space<hbm>>
        %dma_wait3A_78 = tpu.memref_squeeze %dma_wait3A_77 : memref<1x1x16x512xf32, #tpu.memory_space<hbm>> -> memref<16x512xf32, #tpu.memory_space<hbm>>
        %dma_wait3A_79 = arith.constant 0 : i32
        %dma_wait3A_80 = arith.constant 0 : i32
        %dma_wait3A_81 = tpu.memref_slice %arg6[%run_scoped3A, %dma_wait3A_79, %dma_wait3A_80] : memref<4x16x512xf32, #tpu.memory_space<vmem>> -> memref<1x16x512xf32, #tpu.memory_space<vmem>>
        %dma_wait3A_82 = tpu.memref_squeeze %dma_wait3A_81 : memref<1x16x512xf32, #tpu.memory_space<vmem>> -> memref<16x512xf32, #tpu.memory_space<vmem>>
        tpu.wait_dma2 semaphore(%run_scoped3A_55 : memref<!tpu.dma_semaphore, #tpu.memory_space<semaphore_mem>>) src(%dma_wait3A_82 : memref<16x512xf32, #tpu.memory_space<vmem>>) dst(%dma_wait3A_78 : memref<16x512xf32, #tpu.memory_space<hbm>>)
        tpu.yield
      }) : () -> ()
      %run_scoped3A_41 = arith.constant 0 : i32
      %run_scoped3A_42 = arith.constant 0 : i32
      "tpu.region"() ({
        %run_scoped3A_55 = tpu.sem_alloc : memref<!tpu.dma_semaphore, #tpu.memory_space<semaphore_mem>>
        %dma_start3A_56 = arith.constant 0 : i32
        %dma_start3A_57 = arith.constant 0 : i32
        %dma_start3A_58 = tpu.memref_slice %arg7[%run_scoped3A_41, %dma_start3A_56, %dma_start3A_57] : memref<4x16x512xi32, #tpu.memory_space<vmem>> -> memref<1x16x512xi32, #tpu.memory_space<vmem>>
        %dma_start3A_59 = tpu.memref_squeeze %dma_start3A_58 : memref<1x16x512xi32, #tpu.memory_space<vmem>> -> memref<16x512xi32, #tpu.memory_space<vmem>>
        %dma_start3A_60 = arith.constant 0 : i32
        %dma_start3A_61 = tpu.memref_slice %arg5[%add3A_18, %run_scoped3A_42, %mul3A_2, %dma_start3A_60] : memref<4x4x512x512xi32, #tpu.memory_space<hbm>> -> memref<1x1x16x512xi32, #tpu.memory_space<hbm>>
        %dma_start3A_62 = tpu.memref_squeeze %dma_start3A_61 : memref<1x1x16x512xi32, #tpu.memory_space<hbm>> -> memref<16x512xi32, #tpu.memory_space<hbm>>
        %dma_start3A_63 = arith.constant 0 : i32
        %dma_start3A_64 = tpu.memref_slice %arg5[%add3A_18, %run_scoped3A_42, %mul3A_2, %dma_start3A_63] : memref<4x4x512x512xi32, #tpu.memory_space<hbm>> -> memref<1x1x16x512xi32, #tpu.memory_space<hbm>>
        %dma_start3A_65 = tpu.memref_squeeze %dma_start3A_64 : memref<1x1x16x512xi32, #tpu.memory_space<hbm>> -> memref<16x512xi32, #tpu.memory_space<hbm>>
        %dma_start3A_66 = arith.constant 0 : i32
        %dma_start3A_67 = arith.constant 0 : i32
        %dma_start3A_68 = tpu.memref_slice %arg7[%run_scoped3A_41, %dma_start3A_66, %dma_start3A_67] : memref<4x16x512xi32, #tpu.memory_space<vmem>> -> memref<1x16x512xi32, #tpu.memory_space<vmem>>
        %dma_start3A_69 = tpu.memref_squeeze %dma_start3A_68 : memref<1x16x512xi32, #tpu.memory_space<vmem>> -> memref<16x512xi32, #tpu.memory_space<vmem>>
        tpu.enqueue_dma source(%dma_start3A_69 : memref<16x512xi32, #tpu.memory_space<vmem>>) target(%dma_start3A_65 : memref<16x512xi32, #tpu.memory_space<hbm>>) target_semaphore(%run_scoped3A_55 : memref<!tpu.dma_semaphore, #tpu.memory_space<semaphore_mem>>)
        %dma_wait3A = arith.constant 0 : i32
        %dma_wait3A_70 = arith.constant 0 : i32
        %dma_wait3A_71 = tpu.memref_slice %arg7[%run_scoped3A_41, %dma_wait3A, %dma_wait3A_70] : memref<4x16x512xi32, #tpu.memory_space<vmem>> -> memref<1x16x512xi32, #tpu.memory_space<vmem>>
        %dma_wait3A_72 = tpu.memref_squeeze %dma_wait3A_71 : memref<1x16x512xi32, #tpu.memory_space<vmem>> -> memref<16x512xi32, #tpu.memory_space<vmem>>
        %dma_wait3A_73 = arith.constant 0 : i32
        %dma_wait3A_74 = tpu.memref_slice %arg5[%add3A_18, %run_scoped3A_42, %mul3A_2, %dma_wait3A_73] : memref<4x4x512x512xi32, #tpu.memory_space<hbm>> -> memref<1x1x16x512xi32, #tpu.memory_space<hbm>>
        %dma_wait3A_75 = tpu.memref_squeeze %dma_wait3A_74 : memref<1x1x16x512xi32, #tpu.memory_space<hbm>> -> memref<16x512xi32, #tpu.memory_space<hbm>>
        %dma_wait3A_76 = arith.constant 0 : i32
        %dma_wait3A_77 = tpu.memref_slice %arg5[%add3A_18, %run_scoped3A_42, %mul3A_2, %dma_wait3A_76] : memref<4x4x512x512xi32, #tpu.memory_space<hbm>> -> memref<1x1x16x512xi32, #tpu.memory_space<hbm>>
        %dma_wait3A_78 = tpu.memref_squeeze %dma_wait3A_77 : memref<1x1x16x512xi32, #tpu.memory_space<hbm>> -> memref<16x512xi32, #tpu.memory_space<hbm>>
        %dma_wait3A_79 = arith.constant 0 : i32
        %dma_wait3A_80 = arith.constant 0 : i32
        %dma_wait3A_81 = tpu.memref_slice %arg7[%run_scoped3A_41, %dma_wait3A_79, %dma_wait3A_80] : memref<4x16x512xi32, #tpu.memory_space<vmem>> -> memref<1x16x512xi32, #tpu.memory_space<vmem>>
        %dma_wait3A_82 = tpu.memref_squeeze %dma_wait3A_81 : memref<1x16x512xi32, #tpu.memory_space<vmem>> -> memref<16x512xi32, #tpu.memory_space<vmem>>
        tpu.wait_dma2 semaphore(%run_scoped3A_55 : memref<!tpu.dma_semaphore, #tpu.memory_space<semaphore_mem>>) src(%dma_wait3A_82 : memref<16x512xi32, #tpu.memory_space<vmem>>) dst(%dma_wait3A_78 : memref<16x512xi32, #tpu.memory_space<hbm>>)
        tpu.yield
      }) : () -> ()
      %run_scoped3A_43 = arith.constant 1 : i32
      %run_scoped3A_44 = arith.constant 1 : i32
      "tpu.region"() ({
        %run_scoped3A_55 = tpu.sem_alloc : memref<!tpu.dma_semaphore, #tpu.memory_space<semaphore_mem>>
        %dma_start3A_56 = arith.constant 0 : i32
        %dma_start3A_57 = arith.constant 0 : i32
        %dma_start3A_58 = tpu.memref_slice %arg6[%run_scoped3A_43, %dma_start3A_56, %dma_start3A_57] : memref<4x16x512xf32, #tpu.memory_space<vmem>> -> memref<1x16x512xf32, #tpu.memory_space<vmem>>
        %dma_start3A_59 = tpu.memref_squeeze %dma_start3A_58 : memref<1x16x512xf32, #tpu.memory_space<vmem>> -> memref<16x512xf32, #tpu.memory_space<vmem>>
        %dma_start3A_60 = arith.constant 0 : i32
        %dma_start3A_61 = tpu.memref_slice %arg4[%add3A_18, %run_scoped3A_44, %mul3A_2, %dma_start3A_60] : memref<4x4x512x512xf32, #tpu.memory_space<hbm>> -> memref<1x1x16x512xf32, #tpu.memory_space<hbm>>
        %dma_start3A_62 = tpu.memref_squeeze %dma_start3A_61 : memref<1x1x16x512xf32, #tpu.memory_space<hbm>> -> memref<16x512xf32, #tpu.memory_space<hbm>>
        %dma_start3A_63 = arith.constant 0 : i32
        %dma_start3A_64 = tpu.memref_slice %arg4[%add3A_18, %run_scoped3A_44, %mul3A_2, %dma_start3A_63] : memref<4x4x512x512xf32, #tpu.memory_space<hbm>> -> memref<1x1x16x512xf32, #tpu.memory_space<hbm>>
        %dma_start3A_65 = tpu.memref_squeeze %dma_start3A_64 : memref<1x1x16x512xf32, #tpu.memory_space<hbm>> -> memref<16x512xf32, #tpu.memory_space<hbm>>
        %dma_start3A_66 = arith.constant 0 : i32
        %dma_start3A_67 = arith.constant 0 : i32
        %dma_start3A_68 = tpu.memref_slice %arg6[%run_scoped3A_43, %dma_start3A_66, %dma_start3A_67] : memref<4x16x512xf32, #tpu.memory_space<vmem>> -> memref<1x16x512xf32, #tpu.memory_space<vmem>>
        %dma_start3A_69 = tpu.memref_squeeze %dma_start3A_68 : memref<1x16x512xf32, #tpu.memory_space<vmem>> -> memref<16x512xf32, #tpu.memory_space<vmem>>
        tpu.enqueue_dma source(%dma_start3A_69 : memref<16x512xf32, #tpu.memory_space<vmem>>) target(%dma_start3A_65 : memref<16x512xf32, #tpu.memory_space<hbm>>) target_semaphore(%run_scoped3A_55 : memref<!tpu.dma_semaphore, #tpu.memory_space<semaphore_mem>>)
        %dma_wait3A = arith.constant 0 : i32
        %dma_wait3A_70 = arith.constant 0 : i32
        %dma_wait3A_71 = tpu.memref_slice %arg6[%run_scoped3A_43, %dma_wait3A, %dma_wait3A_70] : memref<4x16x512xf32, #tpu.memory_space<vmem>> -> memref<1x16x512xf32, #tpu.memory_space<vmem>>
        %dma_wait3A_72 = tpu.memref_squeeze %dma_wait3A_71 : memref<1x16x512xf32, #tpu.memory_space<vmem>> -> memref<16x512xf32, #tpu.memory_space<vmem>>
        %dma_wait3A_73 = arith.constant 0 : i32
        %dma_wait3A_74 = tpu.memref_slice %arg4[%add3A_18, %run_scoped3A_44, %mul3A_2, %dma_wait3A_73] : memref<4x4x512x512xf32, #tpu.memory_space<hbm>> -> memref<1x1x16x512xf32, #tpu.memory_space<hbm>>
        %dma_wait3A_75 = tpu.memref_squeeze %dma_wait3A_74 : memref<1x1x16x512xf32, #tpu.memory_space<hbm>> -> memref<16x512xf32, #tpu.memory_space<hbm>>
        %dma_wait3A_76 = arith.constant 0 : i32
        %dma_wait3A_77 = tpu.memref_slice %arg4[%add3A_18, %run_scoped3A_44, %mul3A_2, %dma_wait3A_76] : memref<4x4x512x512xf32, #tpu.memory_space<hbm>> -> memref<1x1x16x512xf32, #tpu.memory_space<hbm>>
        %dma_wait3A_78 = tpu.memref_squeeze %dma_wait3A_77 : memref<1x1x16x512xf32, #tpu.memory_space<hbm>> -> memref<16x512xf32, #tpu.memory_space<hbm>>
        %dma_wait3A_79 = arith.constant 0 : i32
        %dma_wait3A_80 = arith.constant 0 : i32
        %dma_wait3A_81 = tpu.memref_slice %arg6[%run_scoped3A_43, %dma_wait3A_79, %dma_wait3A_80] : memref<4x16x512xf32, #tpu.memory_space<vmem>> -> memref<1x16x512xf32, #tpu.memory_space<vmem>>
        %dma_wait3A_82 = tpu.memref_squeeze %dma_wait3A_81 : memref<1x16x512xf32, #tpu.memory_space<vmem>> -> memref<16x512xf32, #tpu.memory_space<vmem>>
        tpu.wait_dma2 semaphore(%run_scoped3A_55 : memref<!tpu.dma_semaphore, #tpu.memory_space<semaphore_mem>>) src(%dma_wait3A_82 : memref<16x512xf32, #tpu.memory_space<vmem>>) dst(%dma_wait3A_78 : memref<16x512xf32, #tpu.memory_space<hbm>>)
        tpu.yield
      }) : () -> ()
      %run_scoped3A_45 = arith.constant 1 : i32
      %run_scoped3A_46 = arith.constant 1 : i32
      "tpu.region"() ({
        %run_scoped3A_55 = tpu.sem_alloc : memref<!tpu.dma_semaphore, #tpu.memory_space<semaphore_mem>>
        %dma_start3A_56 = arith.constant 0 : i32
        %dma_start3A_57 = arith.constant 0 : i32
        %dma_start3A_58 = tpu.memref_slice %arg7[%run_scoped3A_45, %dma_start3A_56, %dma_start3A_57] : memref<4x16x512xi32, #tpu.memory_space<vmem>> -> memref<1x16x512xi32, #tpu.memory_space<vmem>>
        %dma_start3A_59 = tpu.memref_squeeze %dma_start3A_58 : memref<1x16x512xi32, #tpu.memory_space<vmem>> -> memref<16x512xi32, #tpu.memory_space<vmem>>
        %dma_start3A_60 = arith.constant 0 : i32
        %dma_start3A_61 = tpu.memref_slice %arg5[%add3A_18, %run_scoped3A_46, %mul3A_2, %dma_start3A_60] : memref<4x4x512x512xi32, #tpu.memory_space<hbm>> -> memref<1x1x16x512xi32, #tpu.memory_space<hbm>>
        %dma_start3A_62 = tpu.memref_squeeze %dma_start3A_61 : memref<1x1x16x512xi32, #tpu.memory_space<hbm>> -> memref<16x512xi32, #tpu.memory_space<hbm>>
        %dma_start3A_63 = arith.constant 0 : i32
        %dma_start3A_64 = tpu.memref_slice %arg5[%add3A_18, %run_scoped3A_46, %mul3A_2, %dma_start3A_63] : memref<4x4x512x512xi32, #tpu.memory_space<hbm>> -> memref<1x1x16x512xi32, #tpu.memory_space<hbm>>
        %dma_start3A_65 = tpu.memref_squeeze %dma_start3A_64 : memref<1x1x16x512xi32, #tpu.memory_space<hbm>> -> memref<16x512xi32, #tpu.memory_space<hbm>>
        %dma_start3A_66 = arith.constant 0 : i32
        %dma_start3A_67 = arith.constant 0 : i32
        %dma_start3A_68 = tpu.memref_slice %arg7[%run_scoped3A_45, %dma_start3A_66, %dma_start3A_67] : memref<4x16x512xi32, #tpu.memory_space<vmem>> -> memref<1x16x512xi32, #tpu.memory_space<vmem>>
        %dma_start3A_69 = tpu.memref_squeeze %dma_start3A_68 : memref<1x16x512xi32, #tpu.memory_space<vmem>> -> memref<16x512xi32, #tpu.memory_space<vmem>>
        tpu.enqueue_dma source(%dma_start3A_69 : memref<16x512xi32, #tpu.memory_space<vmem>>) target(%dma_start3A_65 : memref<16x512xi32, #tpu.memory_space<hbm>>) target_semaphore(%run_scoped3A_55 : memref<!tpu.dma_semaphore, #tpu.memory_space<semaphore_mem>>)
        %dma_wait3A = arith.constant 0 : i32
        %dma_wait3A_70 = arith.constant 0 : i32
        %dma_wait3A_71 = tpu.memref_slice %arg7[%run_scoped3A_45, %dma_wait3A, %dma_wait3A_70] : memref<4x16x512xi32, #tpu.memory_space<vmem>> -> memref<1x16x512xi32, #tpu.memory_space<vmem>>
        %dma_wait3A_72 = tpu.memref_squeeze %dma_wait3A_71 : memref<1x16x512xi32, #tpu.memory_space<vmem>> -> memref<16x512xi32, #tpu.memory_space<vmem>>
        %dma_wait3A_73 = arith.constant 0 : i32
        %dma_wait3A_74 = tpu.memref_slice %arg5[%add3A_18, %run_scoped3A_46, %mul3A_2, %dma_wait3A_73] : memref<4x4x512x512xi32, #tpu.memory_space<hbm>> -> memref<1x1x16x512xi32, #tpu.memory_space<hbm>>
        %dma_wait3A_75 = tpu.memref_squeeze %dma_wait3A_74 : memref<1x1x16x512xi32, #tpu.memory_space<hbm>> -> memref<16x512xi32, #tpu.memory_space<hbm>>
        %dma_wait3A_76 = arith.constant 0 : i32
        %dma_wait3A_77 = tpu.memref_slice %arg5[%add3A_18, %run_scoped3A_46, %mul3A_2, %dma_wait3A_76] : memref<4x4x512x512xi32, #tpu.memory_space<hbm>> -> memref<1x1x16x512xi32, #tpu.memory_space<hbm>>
        %dma_wait3A_78 = tpu.memref_squeeze %dma_wait3A_77 : memref<1x1x16x512xi32, #tpu.memory_space<hbm>> -> memref<16x512xi32, #tpu.memory_space<hbm>>
        %dma_wait3A_79 = arith.constant 0 : i32
        %dma_wait3A_80 = arith.constant 0 : i32
        %dma_wait3A_81 = tpu.memref_slice %arg7[%run_scoped3A_45, %dma_wait3A_79, %dma_wait3A_80] : memref<4x16x512xi32, #tpu.memory_space<vmem>> -> memref<1x16x512xi32, #tpu.memory_space<vmem>>
        %dma_wait3A_82 = tpu.memref_squeeze %dma_wait3A_81 : memref<1x16x512xi32, #tpu.memory_space<vmem>> -> memref<16x512xi32, #tpu.memory_space<vmem>>
        tpu.wait_dma2 semaphore(%run_scoped3A_55 : memref<!tpu.dma_semaphore, #tpu.memory_space<semaphore_mem>>) src(%dma_wait3A_82 : memref<16x512xi32, #tpu.memory_space<vmem>>) dst(%dma_wait3A_78 : memref<16x512xi32, #tpu.memory_space<hbm>>)
        tpu.yield
      }) : () -> ()
      %run_scoped3A_47 = arith.constant 2 : i32
      %run_scoped3A_48 = arith.constant 2 : i32
      "tpu.region"() ({
        %run_scoped3A_55 = tpu.sem_alloc : memref<!tpu.dma_semaphore, #tpu.memory_space<semaphore_mem>>
        %dma_start3A_56 = arith.constant 0 : i32
        %dma_start3A_57 = arith.constant 0 : i32
        %dma_start3A_58 = tpu.memref_slice %arg6[%run_scoped3A_47, %dma_start3A_56, %dma_start3A_57] : memref<4x16x512xf32, #tpu.memory_space<vmem>> -> memref<1x16x512xf32, #tpu.memory_space<vmem>>
        %dma_start3A_59 = tpu.memref_squeeze %dma_start3A_58 : memref<1x16x512xf32, #tpu.memory_space<vmem>> -> memref<16x512xf32, #tpu.memory_space<vmem>>
        %dma_start3A_60 = arith.constant 0 : i32
        %dma_start3A_61 = tpu.memref_slice %arg4[%add3A_18, %run_scoped3A_48, %mul3A_2, %dma_start3A_60] : memref<4x4x512x512xf32, #tpu.memory_space<hbm>> -> memref<1x1x16x512xf32, #tpu.memory_space<hbm>>
        %dma_start3A_62 = tpu.memref_squeeze %dma_start3A_61 : memref<1x1x16x512xf32, #tpu.memory_space<hbm>> -> memref<16x512xf32, #tpu.memory_space<hbm>>
        %dma_start3A_63 = arith.constant 0 : i32
        %dma_start3A_64 = tpu.memref_slice %arg4[%add3A_18, %run_scoped3A_48, %mul3A_2, %dma_start3A_63] : memref<4x4x512x512xf32, #tpu.memory_space<hbm>> -> memref<1x1x16x512xf32, #tpu.memory_space<hbm>>
        %dma_start3A_65 = tpu.memref_squeeze %dma_start3A_64 : memref<1x1x16x512xf32, #tpu.memory_space<hbm>> -> memref<16x512xf32, #tpu.memory_space<hbm>>
        %dma_start3A_66 = arith.constant 0 : i32
        %dma_start3A_67 = arith.constant 0 : i32
        %dma_start3A_68 = tpu.memref_slice %arg6[%run_scoped3A_47, %dma_start3A_66, %dma_start3A_67] : memref<4x16x512xf32, #tpu.memory_space<vmem>> -> memref<1x16x512xf32, #tpu.memory_space<vmem>>
        %dma_start3A_69 = tpu.memref_squeeze %dma_start3A_68 : memref<1x16x512xf32, #tpu.memory_space<vmem>> -> memref<16x512xf32, #tpu.memory_space<vmem>>
        tpu.enqueue_dma source(%dma_start3A_69 : memref<16x512xf32, #tpu.memory_space<vmem>>) target(%dma_start3A_65 : memref<16x512xf32, #tpu.memory_space<hbm>>) target_semaphore(%run_scoped3A_55 : memref<!tpu.dma_semaphore, #tpu.memory_space<semaphore_mem>>)
        %dma_wait3A = arith.constant 0 : i32
        %dma_wait3A_70 = arith.constant 0 : i32
        %dma_wait3A_71 = tpu.memref_slice %arg6[%run_scoped3A_47, %dma_wait3A, %dma_wait3A_70] : memref<4x16x512xf32, #tpu.memory_space<vmem>> -> memref<1x16x512xf32, #tpu.memory_space<vmem>>
        %dma_wait3A_72 = tpu.memref_squeeze %dma_wait3A_71 : memref<1x16x512xf32, #tpu.memory_space<vmem>> -> memref<16x512xf32, #tpu.memory_space<vmem>>
        %dma_wait3A_73 = arith.constant 0 : i32
        %dma_wait3A_74 = tpu.memref_slice %arg4[%add3A_18, %run_scoped3A_48, %mul3A_2, %dma_wait3A_73] : memref<4x4x512x512xf32, #tpu.memory_space<hbm>> -> memref<1x1x16x512xf32, #tpu.memory_space<hbm>>
        %dma_wait3A_75 = tpu.memref_squeeze %dma_wait3A_74 : memref<1x1x16x512xf32, #tpu.memory_space<hbm>> -> memref<16x512xf32, #tpu.memory_space<hbm>>
        %dma_wait3A_76 = arith.constant 0 : i32
        %dma_wait3A_77 = tpu.memref_slice %arg4[%add3A_18, %run_scoped3A_48, %mul3A_2, %dma_wait3A_76] : memref<4x4x512x512xf32, #tpu.memory_space<hbm>> -> memref<1x1x16x512xf32, #tpu.memory_space<hbm>>
        %dma_wait3A_78 = tpu.memref_squeeze %dma_wait3A_77 : memref<1x1x16x512xf32, #tpu.memory_space<hbm>> -> memref<16x512xf32, #tpu.memory_space<hbm>>
        %dma_wait3A_79 = arith.constant 0 : i32
        %dma_wait3A_80 = arith.constant 0 : i32
        %dma_wait3A_81 = tpu.memref_slice %arg6[%run_scoped3A_47, %dma_wait3A_79, %dma_wait3A_80] : memref<4x16x512xf32, #tpu.memory_space<vmem>> -> memref<1x16x512xf32, #tpu.memory_space<vmem>>
        %dma_wait3A_82 = tpu.memref_squeeze %dma_wait3A_81 : memref<1x16x512xf32, #tpu.memory_space<vmem>> -> memref<16x512xf32, #tpu.memory_space<vmem>>
        tpu.wait_dma2 semaphore(%run_scoped3A_55 : memref<!tpu.dma_semaphore, #tpu.memory_space<semaphore_mem>>) src(%dma_wait3A_82 : memref<16x512xf32, #tpu.memory_space<vmem>>) dst(%dma_wait3A_78 : memref<16x512xf32, #tpu.memory_space<hbm>>)
        tpu.yield
      }) : () -> ()
      %run_scoped3A_49 = arith.constant 2 : i32
      %run_scoped3A_50 = arith.constant 2 : i32
      "tpu.region"() ({
        %run_scoped3A_55 = tpu.sem_alloc : memref<!tpu.dma_semaphore, #tpu.memory_space<semaphore_mem>>
        %dma_start3A_56 = arith.constant 0 : i32
        %dma_start3A_57 = arith.constant 0 : i32
        %dma_start3A_58 = tpu.memref_slice %arg7[%run_scoped3A_49, %dma_start3A_56, %dma_start3A_57] : memref<4x16x512xi32, #tpu.memory_space<vmem>> -> memref<1x16x512xi32, #tpu.memory_space<vmem>>
        %dma_start3A_59 = tpu.memref_squeeze %dma_start3A_58 : memref<1x16x512xi32, #tpu.memory_space<vmem>> -> memref<16x512xi32, #tpu.memory_space<vmem>>
        %dma_start3A_60 = arith.constant 0 : i32
        %dma_start3A_61 = tpu.memref_slice %arg5[%add3A_18, %run_scoped3A_50, %mul3A_2, %dma_start3A_60] : memref<4x4x512x512xi32, #tpu.memory_space<hbm>> -> memref<1x1x16x512xi32, #tpu.memory_space<hbm>>
        %dma_start3A_62 = tpu.memref_squeeze %dma_start3A_61 : memref<1x1x16x512xi32, #tpu.memory_space<hbm>> -> memref<16x512xi32, #tpu.memory_space<hbm>>
        %dma_start3A_63 = arith.constant 0 : i32
        %dma_start3A_64 = tpu.memref_slice %arg5[%add3A_18, %run_scoped3A_50, %mul3A_2, %dma_start3A_63] : memref<4x4x512x512xi32, #tpu.memory_space<hbm>> -> memref<1x1x16x512xi32, #tpu.memory_space<hbm>>
        %dma_start3A_65 = tpu.memref_squeeze %dma_start3A_64 : memref<1x1x16x512xi32, #tpu.memory_space<hbm>> -> memref<16x512xi32, #tpu.memory_space<hbm>>
        %dma_start3A_66 = arith.constant 0 : i32
        %dma_start3A_67 = arith.constant 0 : i32
        %dma_start3A_68 = tpu.memref_slice %arg7[%run_scoped3A_49, %dma_start3A_66, %dma_start3A_67] : memref<4x16x512xi32, #tpu.memory_space<vmem>> -> memref<1x16x512xi32, #tpu.memory_space<vmem>>
        %dma_start3A_69 = tpu.memref_squeeze %dma_start3A_68 : memref<1x16x512xi32, #tpu.memory_space<vmem>> -> memref<16x512xi32, #tpu.memory_space<vmem>>
        tpu.enqueue_dma source(%dma_start3A_69 : memref<16x512xi32, #tpu.memory_space<vmem>>) target(%dma_start3A_65 : memref<16x512xi32, #tpu.memory_space<hbm>>) target_semaphore(%run_scoped3A_55 : memref<!tpu.dma_semaphore, #tpu.memory_space<semaphore_mem>>)
        %dma_wait3A = arith.constant 0 : i32
        %dma_wait3A_70 = arith.constant 0 : i32
        %dma_wait3A_71 = tpu.memref_slice %arg7[%run_scoped3A_49, %dma_wait3A, %dma_wait3A_70] : memref<4x16x512xi32, #tpu.memory_space<vmem>> -> memref<1x16x512xi32, #tpu.memory_space<vmem>>
        %dma_wait3A_72 = tpu.memref_squeeze %dma_wait3A_71 : memref<1x16x512xi32, #tpu.memory_space<vmem>> -> memref<16x512xi32, #tpu.memory_space<vmem>>
        %dma_wait3A_73 = arith.constant 0 : i32
        %dma_wait3A_74 = tpu.memref_slice %arg5[%add3A_18, %run_scoped3A_50, %mul3A_2, %dma_wait3A_73] : memref<4x4x512x512xi32, #tpu.memory_space<hbm>> -> memref<1x1x16x512xi32, #tpu.memory_space<hbm>>
        %dma_wait3A_75 = tpu.memref_squeeze %dma_wait3A_74 : memref<1x1x16x512xi32, #tpu.memory_space<hbm>> -> memref<16x512xi32, #tpu.memory_space<hbm>>
        %dma_wait3A_76 = arith.constant 0 : i32
        %dma_wait3A_77 = tpu.memref_slice %arg5[%add3A_18, %run_scoped3A_50, %mul3A_2, %dma_wait3A_76] : memref<4x4x512x512xi32, #tpu.memory_space<hbm>> -> memref<1x1x16x512xi32, #tpu.memory_space<hbm>>
        %dma_wait3A_78 = tpu.memref_squeeze %dma_wait3A_77 : memref<1x1x16x512xi32, #tpu.memory_space<hbm>> -> memref<16x512xi32, #tpu.memory_space<hbm>>
        %dma_wait3A_79 = arith.constant 0 : i32
        %dma_wait3A_80 = arith.constant 0 : i32
        %dma_wait3A_81 = tpu.memref_slice %arg7[%run_scoped3A_49, %dma_wait3A_79, %dma_wait3A_80] : memref<4x16x512xi32, #tpu.memory_space<vmem>> -> memref<1x16x512xi32, #tpu.memory_space<vmem>>
        %dma_wait3A_82 = tpu.memref_squeeze %dma_wait3A_81 : memref<1x16x512xi32, #tpu.memory_space<vmem>> -> memref<16x512xi32, #tpu.memory_space<vmem>>
        tpu.wait_dma2 semaphore(%run_scoped3A_55 : memref<!tpu.dma_semaphore, #tpu.memory_space<semaphore_mem>>) src(%dma_wait3A_82 : memref<16x512xi32, #tpu.memory_space<vmem>>) dst(%dma_wait3A_78 : memref<16x512xi32, #tpu.memory_space<hbm>>)
        tpu.yield
      }) : () -> ()
      %run_scoped3A_51 = arith.constant 3 : i32
      %run_scoped3A_52 = arith.constant 3 : i32
      "tpu.region"() ({
        %run_scoped3A_55 = tpu.sem_alloc : memref<!tpu.dma_semaphore, #tpu.memory_space<semaphore_mem>>
        %dma_start3A_56 = arith.constant 0 : i32
        %dma_start3A_57 = arith.constant 0 : i32
        %dma_start3A_58 = tpu.memref_slice %arg6[%run_scoped3A_51, %dma_start3A_56, %dma_start3A_57] : memref<4x16x512xf32, #tpu.memory_space<vmem>> -> memref<1x16x512xf32, #tpu.memory_space<vmem>>
        %dma_start3A_59 = tpu.memref_squeeze %dma_start3A_58 : memref<1x16x512xf32, #tpu.memory_space<vmem>> -> memref<16x512xf32, #tpu.memory_space<vmem>>
        %dma_start3A_60 = arith.constant 0 : i32
        %dma_start3A_61 = tpu.memref_slice %arg4[%add3A_18, %run_scoped3A_52, %mul3A_2, %dma_start3A_60] : memref<4x4x512x512xf32, #tpu.memory_space<hbm>> -> memref<1x1x16x512xf32, #tpu.memory_space<hbm>>
        %dma_start3A_62 = tpu.memref_squeeze %dma_start3A_61 : memref<1x1x16x512xf32, #tpu.memory_space<hbm>> -> memref<16x512xf32, #tpu.memory_space<hbm>>
        %dma_start3A_63 = arith.constant 0 : i32
        %dma_start3A_64 = tpu.memref_slice %arg4[%add3A_18, %run_scoped3A_52, %mul3A_2, %dma_start3A_63] : memref<4x4x512x512xf32, #tpu.memory_space<hbm>> -> memref<1x1x16x512xf32, #tpu.memory_space<hbm>>
        %dma_start3A_65 = tpu.memref_squeeze %dma_start3A_64 : memref<1x1x16x512xf32, #tpu.memory_space<hbm>> -> memref<16x512xf32, #tpu.memory_space<hbm>>
        %dma_start3A_66 = arith.constant 0 : i32
        %dma_start3A_67 = arith.constant 0 : i32
        %dma_start3A_68 = tpu.memref_slice %arg6[%run_scoped3A_51, %dma_start3A_66, %dma_start3A_67] : memref<4x16x512xf32, #tpu.memory_space<vmem>> -> memref<1x16x512xf32, #tpu.memory_space<vmem>>
        %dma_start3A_69 = tpu.memref_squeeze %dma_start3A_68 : memref<1x16x512xf32, #tpu.memory_space<vmem>> -> memref<16x512xf32, #tpu.memory_space<vmem>>
        tpu.enqueue_dma source(%dma_start3A_69 : memref<16x512xf32, #tpu.memory_space<vmem>>) target(%dma_start3A_65 : memref<16x512xf32, #tpu.memory_space<hbm>>) target_semaphore(%run_scoped3A_55 : memref<!tpu.dma_semaphore, #tpu.memory_space<semaphore_mem>>)
        %dma_wait3A = arith.constant 0 : i32
        %dma_wait3A_70 = arith.constant 0 : i32
        %dma_wait3A_71 = tpu.memref_slice %arg6[%run_scoped3A_51, %dma_wait3A, %dma_wait3A_70] : memref<4x16x512xf32, #tpu.memory_space<vmem>> -> memref<1x16x512xf32, #tpu.memory_space<vmem>>
        %dma_wait3A_72 = tpu.memref_squeeze %dma_wait3A_71 : memref<1x16x512xf32, #tpu.memory_space<vmem>> -> memref<16x512xf32, #tpu.memory_space<vmem>>
        %dma_wait3A_73 = arith.constant 0 : i32
        %dma_wait3A_74 = tpu.memref_slice %arg4[%add3A_18, %run_scoped3A_52, %mul3A_2, %dma_wait3A_73] : memref<4x4x512x512xf32, #tpu.memory_space<hbm>> -> memref<1x1x16x512xf32, #tpu.memory_space<hbm>>
        %dma_wait3A_75 = tpu.memref_squeeze %dma_wait3A_74 : memref<1x1x16x512xf32, #tpu.memory_space<hbm>> -> memref<16x512xf32, #tpu.memory_space<hbm>>
        %dma_wait3A_76 = arith.constant 0 : i32
        %dma_wait3A_77 = tpu.memref_slice %arg4[%add3A_18, %run_scoped3A_52, %mul3A_2, %dma_wait3A_76] : memref<4x4x512x512xf32, #tpu.memory_space<hbm>> -> memref<1x1x16x512xf32, #tpu.memory_space<hbm>>
        %dma_wait3A_78 = tpu.memref_squeeze %dma_wait3A_77 : memref<1x1x16x512xf32, #tpu.memory_space<hbm>> -> memref<16x512xf32, #tpu.memory_space<hbm>>
        %dma_wait3A_79 = arith.constant 0 : i32
        %dma_wait3A_80 = arith.constant 0 : i32
        %dma_wait3A_81 = tpu.memref_slice %arg6[%run_scoped3A_51, %dma_wait3A_79, %dma_wait3A_80] : memref<4x16x512xf32, #tpu.memory_space<vmem>> -> memref<1x16x512xf32, #tpu.memory_space<vmem>>
        %dma_wait3A_82 = tpu.memref_squeeze %dma_wait3A_81 : memref<1x16x512xf32, #tpu.memory_space<vmem>> -> memref<16x512xf32, #tpu.memory_space<vmem>>
        tpu.wait_dma2 semaphore(%run_scoped3A_55 : memref<!tpu.dma_semaphore, #tpu.memory_space<semaphore_mem>>) src(%dma_wait3A_82 : memref<16x512xf32, #tpu.memory_space<vmem>>) dst(%dma_wait3A_78 : memref<16x512xf32, #tpu.memory_space<hbm>>)
        tpu.yield
      }) : () -> ()
      %run_scoped3A_53 = arith.constant 3 : i32
      %run_scoped3A_54 = arith.constant 3 : i32
      "tpu.region"() ({
        %run_scoped3A_55 = tpu.sem_alloc : memref<!tpu.dma_semaphore, #tpu.memory_space<semaphore_mem>>
        %dma_start3A_56 = arith.constant 0 : i32
        %dma_start3A_57 = arith.constant 0 : i32
        %dma_start3A_58 = tpu.memref_slice %arg7[%run_scoped3A_53, %dma_start3A_56, %dma_start3A_57] : memref<4x16x512xi32, #tpu.memory_space<vmem>> -> memref<1x16x512xi32, #tpu.memory_space<vmem>>
        %dma_start3A_59 = tpu.memref_squeeze %dma_start3A_58 : memref<1x16x512xi32, #tpu.memory_space<vmem>> -> memref<16x512xi32, #tpu.memory_space<vmem>>
        %dma_start3A_60 = arith.constant 0 : i32
        %dma_start3A_61 = tpu.memref_slice %arg5[%add3A_18, %run_scoped3A_54, %mul3A_2, %dma_start3A_60] : memref<4x4x512x512xi32, #tpu.memory_space<hbm>> -> memref<1x1x16x512xi32, #tpu.memory_space<hbm>>
        %dma_start3A_62 = tpu.memref_squeeze %dma_start3A_61 : memref<1x1x16x512xi32, #tpu.memory_space<hbm>> -> memref<16x512xi32, #tpu.memory_space<hbm>>
        %dma_start3A_63 = arith.constant 0 : i32
        %dma_start3A_64 = tpu.memref_slice %arg5[%add3A_18, %run_scoped3A_54, %mul3A_2, %dma_start3A_63] : memref<4x4x512x512xi32, #tpu.memory_space<hbm>> -> memref<1x1x16x512xi32, #tpu.memory_space<hbm>>
        %dma_start3A_65 = tpu.memref_squeeze %dma_start3A_64 : memref<1x1x16x512xi32, #tpu.memory_space<hbm>> -> memref<16x512xi32, #tpu.memory_space<hbm>>
        %dma_start3A_66 = arith.constant 0 : i32
        %dma_start3A_67 = arith.constant 0 : i32
        %dma_start3A_68 = tpu.memref_slice %arg7[%run_scoped3A_53, %dma_start3A_66, %dma_start3A_67] : memref<4x16x512xi32, #tpu.memory_space<vmem>> -> memref<1x16x512xi32, #tpu.memory_space<vmem>>
        %dma_start3A_69 = tpu.memref_squeeze %dma_start3A_68 : memref<1x16x512xi32, #tpu.memory_space<vmem>> -> memref<16x512xi32, #tpu.memory_space<vmem>>
        tpu.enqueue_dma source(%dma_start3A_69 : memref<16x512xi32, #tpu.memory_space<vmem>>) target(%dma_start3A_65 : memref<16x512xi32, #tpu.memory_space<hbm>>) target_semaphore(%run_scoped3A_55 : memref<!tpu.dma_semaphore, #tpu.memory_space<semaphore_mem>>)
        %dma_wait3A = arith.constant 0 : i32
        %dma_wait3A_70 = arith.constant 0 : i32
        %dma_wait3A_71 = tpu.memref_slice %arg7[%run_scoped3A_53, %dma_wait3A, %dma_wait3A_70] : memref<4x16x512xi32, #tpu.memory_space<vmem>> -> memref<1x16x512xi32, #tpu.memory_space<vmem>>
        %dma_wait3A_72 = tpu.memref_squeeze %dma_wait3A_71 : memref<1x16x512xi32, #tpu.memory_space<vmem>> -> memref<16x512xi32, #tpu.memory_space<vmem>>
        %dma_wait3A_73 = arith.constant 0 : i32
        %dma_wait3A_74 = tpu.memref_slice %arg5[%add3A_18, %run_scoped3A_54, %mul3A_2, %dma_wait3A_73] : memref<4x4x512x512xi32, #tpu.memory_space<hbm>> -> memref<1x1x16x512xi32, #tpu.memory_space<hbm>>
        %dma_wait3A_75 = tpu.memref_squeeze %dma_wait3A_74 : memref<1x1x16x512xi32, #tpu.memory_space<hbm>> -> memref<16x512xi32, #tpu.memory_space<hbm>>
        %dma_wait3A_76 = arith.constant 0 : i32
        %dma_wait3A_77 = tpu.memref_slice %arg5[%add3A_18, %run_scoped3A_54, %mul3A_2, %dma_wait3A_76] : memref<4x4x512x512xi32, #tpu.memory_space<hbm>> -> memref<1x1x16x512xi32, #tpu.memory_space<hbm>>
        %dma_wait3A_78 = tpu.memref_squeeze %dma_wait3A_77 : memref<1x1x16x512xi32, #tpu.memory_space<hbm>> -> memref<16x512xi32, #tpu.memory_space<hbm>>
        %dma_wait3A_79 = arith.constant 0 : i32
        %dma_wait3A_80 = arith.constant 0 : i32
        %dma_wait3A_81 = tpu.memref_slice %arg7[%run_scoped3A_53, %dma_wait3A_79, %dma_wait3A_80] : memref<4x16x512xi32, #tpu.memory_space<vmem>> -> memref<1x16x512xi32, #tpu.memory_space<vmem>>
        %dma_wait3A_82 = tpu.memref_squeeze %dma_wait3A_81 : memref<1x16x512xi32, #tpu.memory_space<vmem>> -> memref<16x512xi32, #tpu.memory_space<vmem>>
        tpu.wait_dma2 semaphore(%run_scoped3A_55 : memref<!tpu.dma_semaphore, #tpu.memory_space<semaphore_mem>>) src(%dma_wait3A_82 : memref<16x512xi32, #tpu.memory_space<vmem>>) dst(%dma_wait3A_78 : memref<16x512xi32, #tpu.memory_space<hbm>>)
        tpu.yield
      }) : () -> ()
    }
    %scan3A_13 = arith.constant 4 : i32
    return
  }
}

#map = affine_map<(d0, d1) -> (0, 0)>
#map1 = affine_map<(d0, d1) -> (0, 0, 0)>
module attributes {stable_mosaic.version = 14 : i64} {
  func.func @_sc_gather_body(%arg0: i32, %arg1: i32, %arg2: memref<4x262144xf32, #tpu.memory_space<hbm>>, %arg3: memref<4x4x131072xi32, #tpu.memory_space<hbm>>, %arg4: memref<4x4x131072xf32, #tpu.memory_space<hbm>>, %arg5: memref<4x131072xf32, #tpu.memory_space<hbm>>, %arg6: memref<4096xi32, #tpu.memory_space<vmem>>, %arg7: memref<4096xi32, #tpu.memory_space<vmem>>, %arg8: memref<4096xi32, #tpu.memory_space<vmem>>, %arg9: memref<4096xi32, #tpu.memory_space<vmem>>, %arg10: memref<4096xf32, #tpu.memory_space<vmem>>, %arg11: memref<4096xf32, #tpu.memory_space<vmem>>, %arg12: memref<4096xf32, #tpu.memory_space<vmem>>, %arg13: memref<4096xf32, #tpu.memory_space<vmem>>, %arg14: memref<4096xf32, #tpu.memory_space<vmem>>, %arg15: memref<4096xf32, #tpu.memory_space<vmem>>, %arg16: memref<4096xf32, #tpu.memory_space<vmem>>, %arg17: memref<4096xf32, #tpu.memory_space<vmem>>, %arg18: memref<4096xf32, #tpu.memory_space<vmem>>, %arg19: memref<1048576xf32, #tpu.memory_space<vmem_shared>>, %arg20: memref<!tpu.dma_semaphore, #tpu.memory_space<semaphore_mem>>, %arg21: memref<!tpu.dma_semaphore, #tpu.memory_space<semaphore_mem>>) attributes {dimension_semantics = [#tpu.dimension_semantics<core_parallel>, #tpu.dimension_semantics<subcore_parallel>], iteration_bounds = array<i64: 2, 16>, scalar_prefetch = 0 : i64, scratch_operands = 16 : i64, tpu.core_type = #tpu.core_type<sc_vector_subcore>, window_params = [{transform_indices = #map}, {transform_indices = #map1}, {transform_indices = #map1}, {transform_indices = #map}]} {
    %mul3A = arith.constant 16 : i32
    %mul3A_0 = arith.muli %arg0, %mul3A : i32
    %add3A = arith.addi %mul3A_0, %arg1 : i32
    %mul3A_1 = arith.constant 4096 : i32
    %mul3A_2 = arith.muli %add3A, %mul3A_1 : i32
    %lt3A = arith.constant 4 : i32
    %lt3A_3 = arith.cmpi slt, %arg1, %lt3A : i32
    %convert_element_type3A = arith.extui %lt3A_3 : i1 to i32
    %cond3A = arith.constant 0 : i32
    %cond3A_4 = arith.cmpi ne, %convert_element_type3A, %cond3A : i32
    scf.if %cond3A_4 {
      %mul3A_9 = arith.constant 262144 : i32
      %mul3A_10 = arith.muli %arg1, %mul3A_9 : i32
      "tpu.region"() ({
        %run_scoped3A = tpu.sem_alloc : memref<!tpu.dma_semaphore, #tpu.memory_space<semaphore_mem>>
        %dma_start3A = tpu.memref_slice %arg19[%mul3A_10] : memref<1048576xf32, #tpu.memory_space<vmem_shared>> -> memref<262144xf32, #tpu.memory_space<vmem_shared>>
        %dma_start3A_11 = arith.constant 0 : i32
        %dma_start3A_12 = tpu.memref_slice %arg2[%arg1, %dma_start3A_11] : memref<4x262144xf32, #tpu.memory_space<hbm>> -> memref<1x262144xf32, #tpu.memory_space<hbm>>
        %dma_start3A_13 = tpu.memref_squeeze %dma_start3A_12 : memref<1x262144xf32, #tpu.memory_space<hbm>> -> memref<262144xf32, #tpu.memory_space<hbm>>
        tpu.enqueue_dma source(%dma_start3A_13 : memref<262144xf32, #tpu.memory_space<hbm>>) target(%dma_start3A : memref<262144xf32, #tpu.memory_space<vmem_shared>>) target_semaphore(%run_scoped3A : memref<!tpu.dma_semaphore, #tpu.memory_space<semaphore_mem>>)
        %dma_wait3A = tpu.memref_slice %arg19[%mul3A_10] : memref<1048576xf32, #tpu.memory_space<vmem_shared>> -> memref<262144xf32, #tpu.memory_space<vmem_shared>>
        %dma_wait3A_14 = arith.constant 0 : i32
        %dma_wait3A_15 = tpu.memref_slice %arg2[%arg1, %dma_wait3A_14] : memref<4x262144xf32, #tpu.memory_space<hbm>> -> memref<1x262144xf32, #tpu.memory_space<hbm>>
        %dma_wait3A_16 = tpu.memref_squeeze %dma_wait3A_15 : memref<1x262144xf32, #tpu.memory_space<hbm>> -> memref<262144xf32, #tpu.memory_space<hbm>>
        tpu.wait_dma2 semaphore(%run_scoped3A : memref<!tpu.dma_semaphore, #tpu.memory_space<semaphore_mem>>) src(%dma_wait3A_16 : memref<262144xf32, #tpu.memory_space<hbm>>) dst(%dma_wait3A : memref<262144xf32, #tpu.memory_space<vmem_shared>>)
        tpu.yield
      }) : () -> ()
    } else {
    }
    %barrier3A = arith.constant 0 : index
    tpu.barrier barrier_id(%barrier3A)
    %scan3A = arith.constant 0 : i32
    %scan3A_5 = arith.constant 4 : i32
    %scan3A_6 = arith.addi %scan3A, %scan3A_5 : i32
    %scan3A_7 = arith.constant 1 : i32
    scf.for %scan3A_9 = %scan3A to %scan3A_6 step %scan3A_7  : i32 {
      %mul3A_10 = arith.constant 1 : i32
      %mul3A_11 = arith.muli %scan3A_9, %mul3A_10 : i32
      %add3A_12 = arith.constant 0 : i32
      %add3A_13 = arith.addi %add3A_12, %mul3A_11 : i32
      %dma_start3A = arith.constant 0 : i32
      %dma_start3A_14 = tpu.memref_slice %arg3[%add3A_13, %dma_start3A, %mul3A_2] : memref<4x4x131072xi32, #tpu.memory_space<hbm>> -> memref<1x1x4096xi32, #tpu.memory_space<hbm>>
      %dma_start3A_15 = tpu.memref_squeeze %dma_start3A_14 : memref<1x1x4096xi32, #tpu.memory_space<hbm>> -> memref<4096xi32, #tpu.memory_space<hbm>>
      %dma_start3A_16 = tpu.memref_slice %arg3[%add3A_13, %dma_start3A, %mul3A_2] : memref<4x4x131072xi32, #tpu.memory_space<hbm>> -> memref<1x1x4096xi32, #tpu.memory_space<hbm>>
      %dma_start3A_17 = tpu.memref_squeeze %dma_start3A_16 : memref<1x1x4096xi32, #tpu.memory_space<hbm>> -> memref<4096xi32, #tpu.memory_space<hbm>>
      tpu.enqueue_dma source(%dma_start3A_17 : memref<4096xi32, #tpu.memory_space<hbm>>) target(%arg6 : memref<4096xi32, #tpu.memory_space<vmem>>) target_semaphore(%arg20 : memref<!tpu.dma_semaphore, #tpu.memory_space<semaphore_mem>>)
      %dma_start3A_18 = arith.constant 1 : i32
      %dma_start3A_19 = tpu.memref_slice %arg3[%add3A_13, %dma_start3A_18, %mul3A_2] : memref<4x4x131072xi32, #tpu.memory_space<hbm>> -> memref<1x1x4096xi32, #tpu.memory_space<hbm>>
      %dma_start3A_20 = tpu.memref_squeeze %dma_start3A_19 : memref<1x1x4096xi32, #tpu.memory_space<hbm>> -> memref<4096xi32, #tpu.memory_space<hbm>>
      %dma_start3A_21 = tpu.memref_slice %arg3[%add3A_13, %dma_start3A_18, %mul3A_2] : memref<4x4x131072xi32, #tpu.memory_space<hbm>> -> memref<1x1x4096xi32, #tpu.memory_space<hbm>>
      %dma_start3A_22 = tpu.memref_squeeze %dma_start3A_21 : memref<1x1x4096xi32, #tpu.memory_space<hbm>> -> memref<4096xi32, #tpu.memory_space<hbm>>
      tpu.enqueue_dma source(%dma_start3A_22 : memref<4096xi32, #tpu.memory_space<hbm>>) target(%arg7 : memref<4096xi32, #tpu.memory_space<vmem>>) target_semaphore(%arg20 : memref<!tpu.dma_semaphore, #tpu.memory_space<semaphore_mem>>)
      %dma_start3A_23 = arith.constant 2 : i32
      %dma_start3A_24 = tpu.memref_slice %arg3[%add3A_13, %dma_start3A_23, %mul3A_2] : memref<4x4x131072xi32, #tpu.memory_space<hbm>> -> memref<1x1x4096xi32, #tpu.memory_space<hbm>>
      %dma_start3A_25 = tpu.memref_squeeze %dma_start3A_24 : memref<1x1x4096xi32, #tpu.memory_space<hbm>> -> memref<4096xi32, #tpu.memory_space<hbm>>
      %dma_start3A_26 = tpu.memref_slice %arg3[%add3A_13, %dma_start3A_23, %mul3A_2] : memref<4x4x131072xi32, #tpu.memory_space<hbm>> -> memref<1x1x4096xi32, #tpu.memory_space<hbm>>
      %dma_start3A_27 = tpu.memref_squeeze %dma_start3A_26 : memref<1x1x4096xi32, #tpu.memory_space<hbm>> -> memref<4096xi32, #tpu.memory_space<hbm>>
      tpu.enqueue_dma source(%dma_start3A_27 : memref<4096xi32, #tpu.memory_space<hbm>>) target(%arg8 : memref<4096xi32, #tpu.memory_space<vmem>>) target_semaphore(%arg20 : memref<!tpu.dma_semaphore, #tpu.memory_space<semaphore_mem>>)
      %dma_start3A_28 = arith.constant 3 : i32
      %dma_start3A_29 = tpu.memref_slice %arg3[%add3A_13, %dma_start3A_28, %mul3A_2] : memref<4x4x131072xi32, #tpu.memory_space<hbm>> -> memref<1x1x4096xi32, #tpu.memory_space<hbm>>
      %dma_start3A_30 = tpu.memref_squeeze %dma_start3A_29 : memref<1x1x4096xi32, #tpu.memory_space<hbm>> -> memref<4096xi32, #tpu.memory_space<hbm>>
      %dma_start3A_31 = tpu.memref_slice %arg3[%add3A_13, %dma_start3A_28, %mul3A_2] : memref<4x4x131072xi32, #tpu.memory_space<hbm>> -> memref<1x1x4096xi32, #tpu.memory_space<hbm>>
      %dma_start3A_32 = tpu.memref_squeeze %dma_start3A_31 : memref<1x1x4096xi32, #tpu.memory_space<hbm>> -> memref<4096xi32, #tpu.memory_space<hbm>>
      tpu.enqueue_dma source(%dma_start3A_32 : memref<4096xi32, #tpu.memory_space<hbm>>) target(%arg9 : memref<4096xi32, #tpu.memory_space<vmem>>) target_semaphore(%arg20 : memref<!tpu.dma_semaphore, #tpu.memory_space<semaphore_mem>>)
      %dma_start3A_33 = arith.constant 0 : i32
      %dma_start3A_34 = tpu.memref_slice %arg4[%add3A_13, %dma_start3A_33, %mul3A_2] : memref<4x4x131072xf32, #tpu.memory_space<hbm>> -> memref<1x1x4096xf32, #tpu.memory_space<hbm>>
      %dma_start3A_35 = tpu.memref_squeeze %dma_start3A_34 : memref<1x1x4096xf32, #tpu.memory_space<hbm>> -> memref<4096xf32, #tpu.memory_space<hbm>>
      %dma_start3A_36 = tpu.memref_slice %arg4[%add3A_13, %dma_start3A_33, %mul3A_2] : memref<4x4x131072xf32, #tpu.memory_space<hbm>> -> memref<1x1x4096xf32, #tpu.memory_space<hbm>>
      %dma_start3A_37 = tpu.memref_squeeze %dma_start3A_36 : memref<1x1x4096xf32, #tpu.memory_space<hbm>> -> memref<4096xf32, #tpu.memory_space<hbm>>
      tpu.enqueue_dma source(%dma_start3A_37 : memref<4096xf32, #tpu.memory_space<hbm>>) target(%arg10 : memref<4096xf32, #tpu.memory_space<vmem>>) target_semaphore(%arg20 : memref<!tpu.dma_semaphore, #tpu.memory_space<semaphore_mem>>)
      %dma_start3A_38 = arith.constant 1 : i32
      %dma_start3A_39 = tpu.memref_slice %arg4[%add3A_13, %dma_start3A_38, %mul3A_2] : memref<4x4x131072xf32, #tpu.memory_space<hbm>> -> memref<1x1x4096xf32, #tpu.memory_space<hbm>>
      %dma_start3A_40 = tpu.memref_squeeze %dma_start3A_39 : memref<1x1x4096xf32, #tpu.memory_space<hbm>> -> memref<4096xf32, #tpu.memory_space<hbm>>
      %dma_start3A_41 = tpu.memref_slice %arg4[%add3A_13, %dma_start3A_38, %mul3A_2] : memref<4x4x131072xf32, #tpu.memory_space<hbm>> -> memref<1x1x4096xf32, #tpu.memory_space<hbm>>
      %dma_start3A_42 = tpu.memref_squeeze %dma_start3A_41 : memref<1x1x4096xf32, #tpu.memory_space<hbm>> -> memref<4096xf32, #tpu.memory_space<hbm>>
      tpu.enqueue_dma source(%dma_start3A_42 : memref<4096xf32, #tpu.memory_space<hbm>>) target(%arg11 : memref<4096xf32, #tpu.memory_space<vmem>>) target_semaphore(%arg20 : memref<!tpu.dma_semaphore, #tpu.memory_space<semaphore_mem>>)
      %dma_start3A_43 = arith.constant 2 : i32
      %dma_start3A_44 = tpu.memref_slice %arg4[%add3A_13, %dma_start3A_43, %mul3A_2] : memref<4x4x131072xf32, #tpu.memory_space<hbm>> -> memref<1x1x4096xf32, #tpu.memory_space<hbm>>
      %dma_start3A_45 = tpu.memref_squeeze %dma_start3A_44 : memref<1x1x4096xf32, #tpu.memory_space<hbm>> -> memref<4096xf32, #tpu.memory_space<hbm>>
      %dma_start3A_46 = tpu.memref_slice %arg4[%add3A_13, %dma_start3A_43, %mul3A_2] : memref<4x4x131072xf32, #tpu.memory_space<hbm>> -> memref<1x1x4096xf32, #tpu.memory_space<hbm>>
      %dma_start3A_47 = tpu.memref_squeeze %dma_start3A_46 : memref<1x1x4096xf32, #tpu.memory_space<hbm>> -> memref<4096xf32, #tpu.memory_space<hbm>>
      tpu.enqueue_dma source(%dma_start3A_47 : memref<4096xf32, #tpu.memory_space<hbm>>) target(%arg12 : memref<4096xf32, #tpu.memory_space<vmem>>) target_semaphore(%arg20 : memref<!tpu.dma_semaphore, #tpu.memory_space<semaphore_mem>>)
      %dma_start3A_48 = arith.constant 3 : i32
      %dma_start3A_49 = tpu.memref_slice %arg4[%add3A_13, %dma_start3A_48, %mul3A_2] : memref<4x4x131072xf32, #tpu.memory_space<hbm>> -> memref<1x1x4096xf32, #tpu.memory_space<hbm>>
      %dma_start3A_50 = tpu.memref_squeeze %dma_start3A_49 : memref<1x1x4096xf32, #tpu.memory_space<hbm>> -> memref<4096xf32, #tpu.memory_space<hbm>>
      %dma_start3A_51 = tpu.memref_slice %arg4[%add3A_13, %dma_start3A_48, %mul3A_2] : memref<4x4x131072xf32, #tpu.memory_space<hbm>> -> memref<1x1x4096xf32, #tpu.memory_space<hbm>>
      %dma_start3A_52 = tpu.memref_squeeze %dma_start3A_51 : memref<1x1x4096xf32, #tpu.memory_space<hbm>> -> memref<4096xf32, #tpu.memory_space<hbm>>
      tpu.enqueue_dma source(%dma_start3A_52 : memref<4096xf32, #tpu.memory_space<hbm>>) target(%arg13 : memref<4096xf32, #tpu.memory_space<vmem>>) target_semaphore(%arg20 : memref<!tpu.dma_semaphore, #tpu.memory_space<semaphore_mem>>)
      %dma_wait3A = arith.constant 0 : i32
      %dma_wait3A_53 = tpu.memref_slice %arg3[%add3A_13, %dma_wait3A, %mul3A_2] : memref<4x4x131072xi32, #tpu.memory_space<hbm>> -> memref<1x1x4096xi32, #tpu.memory_space<hbm>>
      %dma_wait3A_54 = tpu.memref_squeeze %dma_wait3A_53 : memref<1x1x4096xi32, #tpu.memory_space<hbm>> -> memref<4096xi32, #tpu.memory_space<hbm>>
      %dma_wait3A_55 = tpu.memref_slice %arg3[%add3A_13, %dma_wait3A, %mul3A_2] : memref<4x4x131072xi32, #tpu.memory_space<hbm>> -> memref<1x1x4096xi32, #tpu.memory_space<hbm>>
      %dma_wait3A_56 = tpu.memref_squeeze %dma_wait3A_55 : memref<1x1x4096xi32, #tpu.memory_space<hbm>> -> memref<4096xi32, #tpu.memory_space<hbm>>
      tpu.wait_dma2 semaphore(%arg20 : memref<!tpu.dma_semaphore, #tpu.memory_space<semaphore_mem>>) src(%dma_wait3A_56 : memref<4096xi32, #tpu.memory_space<hbm>>) dst(%arg6 : memref<4096xi32, #tpu.memory_space<vmem>>)
      %dma_wait3A_57 = arith.constant 1 : i32
      %dma_wait3A_58 = tpu.memref_slice %arg3[%add3A_13, %dma_wait3A_57, %mul3A_2] : memref<4x4x131072xi32, #tpu.memory_space<hbm>> -> memref<1x1x4096xi32, #tpu.memory_space<hbm>>
      %dma_wait3A_59 = tpu.memref_squeeze %dma_wait3A_58 : memref<1x1x4096xi32, #tpu.memory_space<hbm>> -> memref<4096xi32, #tpu.memory_space<hbm>>
      %dma_wait3A_60 = tpu.memref_slice %arg3[%add3A_13, %dma_wait3A_57, %mul3A_2] : memref<4x4x131072xi32, #tpu.memory_space<hbm>> -> memref<1x1x4096xi32, #tpu.memory_space<hbm>>
      %dma_wait3A_61 = tpu.memref_squeeze %dma_wait3A_60 : memref<1x1x4096xi32, #tpu.memory_space<hbm>> -> memref<4096xi32, #tpu.memory_space<hbm>>
      tpu.wait_dma2 semaphore(%arg20 : memref<!tpu.dma_semaphore, #tpu.memory_space<semaphore_mem>>) src(%dma_wait3A_61 : memref<4096xi32, #tpu.memory_space<hbm>>) dst(%arg7 : memref<4096xi32, #tpu.memory_space<vmem>>)
      %dma_wait3A_62 = arith.constant 2 : i32
      %dma_wait3A_63 = tpu.memref_slice %arg3[%add3A_13, %dma_wait3A_62, %mul3A_2] : memref<4x4x131072xi32, #tpu.memory_space<hbm>> -> memref<1x1x4096xi32, #tpu.memory_space<hbm>>
      %dma_wait3A_64 = tpu.memref_squeeze %dma_wait3A_63 : memref<1x1x4096xi32, #tpu.memory_space<hbm>> -> memref<4096xi32, #tpu.memory_space<hbm>>
      %dma_wait3A_65 = tpu.memref_slice %arg3[%add3A_13, %dma_wait3A_62, %mul3A_2] : memref<4x4x131072xi32, #tpu.memory_space<hbm>> -> memref<1x1x4096xi32, #tpu.memory_space<hbm>>
      %dma_wait3A_66 = tpu.memref_squeeze %dma_wait3A_65 : memref<1x1x4096xi32, #tpu.memory_space<hbm>> -> memref<4096xi32, #tpu.memory_space<hbm>>
      tpu.wait_dma2 semaphore(%arg20 : memref<!tpu.dma_semaphore, #tpu.memory_space<semaphore_mem>>) src(%dma_wait3A_66 : memref<4096xi32, #tpu.memory_space<hbm>>) dst(%arg8 : memref<4096xi32, #tpu.memory_space<vmem>>)
      %dma_wait3A_67 = arith.constant 3 : i32
      %dma_wait3A_68 = tpu.memref_slice %arg3[%add3A_13, %dma_wait3A_67, %mul3A_2] : memref<4x4x131072xi32, #tpu.memory_space<hbm>> -> memref<1x1x4096xi32, #tpu.memory_space<hbm>>
      %dma_wait3A_69 = tpu.memref_squeeze %dma_wait3A_68 : memref<1x1x4096xi32, #tpu.memory_space<hbm>> -> memref<4096xi32, #tpu.memory_space<hbm>>
      %dma_wait3A_70 = tpu.memref_slice %arg3[%add3A_13, %dma_wait3A_67, %mul3A_2] : memref<4x4x131072xi32, #tpu.memory_space<hbm>> -> memref<1x1x4096xi32, #tpu.memory_space<hbm>>
      %dma_wait3A_71 = tpu.memref_squeeze %dma_wait3A_70 : memref<1x1x4096xi32, #tpu.memory_space<hbm>> -> memref<4096xi32, #tpu.memory_space<hbm>>
      tpu.wait_dma2 semaphore(%arg20 : memref<!tpu.dma_semaphore, #tpu.memory_space<semaphore_mem>>) src(%dma_wait3A_71 : memref<4096xi32, #tpu.memory_space<hbm>>) dst(%arg9 : memref<4096xi32, #tpu.memory_space<vmem>>)
      %dma_start3A_72 = arith.constant 0 : i32
      %dma_start3A_73 = tpu.memref_slice %arg19[%dma_start3A_72] : memref<1048576xf32, #tpu.memory_space<vmem_shared>> -> memref<1048576xf32, #tpu.memory_space<vmem_shared>>
      tpu.enqueue_indirect_dma source(%dma_start3A_73 : memref<1048576xf32, #tpu.memory_space<vmem_shared>>) target(%arg14 : memref<4096xf32, #tpu.memory_space<vmem>>) offsets(%arg6 : memref<4096xi32, #tpu.memory_space<vmem>>) semaphore(%arg21 : memref<!tpu.dma_semaphore, #tpu.memory_space<semaphore_mem>>)
      %dma_start3A_74 = arith.constant 0 : i32
      %dma_start3A_75 = tpu.memref_slice %arg19[%dma_start3A_74] : memref<1048576xf32, #tpu.memory_space<vmem_shared>> -> memref<1048576xf32, #tpu.memory_space<vmem_shared>>
      tpu.enqueue_indirect_dma source(%dma_start3A_75 : memref<1048576xf32, #tpu.memory_space<vmem_shared>>) target(%arg15 : memref<4096xf32, #tpu.memory_space<vmem>>) offsets(%arg7 : memref<4096xi32, #tpu.memory_space<vmem>>) semaphore(%arg21 : memref<!tpu.dma_semaphore, #tpu.memory_space<semaphore_mem>>)
      %dma_start3A_76 = arith.constant 0 : i32
      %dma_start3A_77 = tpu.memref_slice %arg19[%dma_start3A_76] : memref<1048576xf32, #tpu.memory_space<vmem_shared>> -> memref<1048576xf32, #tpu.memory_space<vmem_shared>>
      tpu.enqueue_indirect_dma source(%dma_start3A_77 : memref<1048576xf32, #tpu.memory_space<vmem_shared>>) target(%arg16 : memref<4096xf32, #tpu.memory_space<vmem>>) offsets(%arg8 : memref<4096xi32, #tpu.memory_space<vmem>>) semaphore(%arg21 : memref<!tpu.dma_semaphore, #tpu.memory_space<semaphore_mem>>)
      %dma_start3A_78 = arith.constant 0 : i32
      %dma_start3A_79 = tpu.memref_slice %arg19[%dma_start3A_78] : memref<1048576xf32, #tpu.memory_space<vmem_shared>> -> memref<1048576xf32, #tpu.memory_space<vmem_shared>>
      tpu.enqueue_indirect_dma source(%dma_start3A_79 : memref<1048576xf32, #tpu.memory_space<vmem_shared>>) target(%arg17 : memref<4096xf32, #tpu.memory_space<vmem>>) offsets(%arg9 : memref<4096xi32, #tpu.memory_space<vmem>>) semaphore(%arg21 : memref<!tpu.dma_semaphore, #tpu.memory_space<semaphore_mem>>)
      %dma_wait3A_80 = arith.constant 0 : i32
      %dma_wait3A_81 = tpu.memref_slice %arg4[%add3A_13, %dma_wait3A_80, %mul3A_2] : memref<4x4x131072xf32, #tpu.memory_space<hbm>> -> memref<1x1x4096xf32, #tpu.memory_space<hbm>>
      %dma_wait3A_82 = tpu.memref_squeeze %dma_wait3A_81 : memref<1x1x4096xf32, #tpu.memory_space<hbm>> -> memref<4096xf32, #tpu.memory_space<hbm>>
      %dma_wait3A_83 = tpu.memref_slice %arg4[%add3A_13, %dma_wait3A_80, %mul3A_2] : memref<4x4x131072xf32, #tpu.memory_space<hbm>> -> memref<1x1x4096xf32, #tpu.memory_space<hbm>>
      %dma_wait3A_84 = tpu.memref_squeeze %dma_wait3A_83 : memref<1x1x4096xf32, #tpu.memory_space<hbm>> -> memref<4096xf32, #tpu.memory_space<hbm>>
      tpu.wait_dma2 semaphore(%arg20 : memref<!tpu.dma_semaphore, #tpu.memory_space<semaphore_mem>>) src(%dma_wait3A_84 : memref<4096xf32, #tpu.memory_space<hbm>>) dst(%arg10 : memref<4096xf32, #tpu.memory_space<vmem>>)
      %dma_wait3A_85 = arith.constant 1 : i32
      %dma_wait3A_86 = tpu.memref_slice %arg4[%add3A_13, %dma_wait3A_85, %mul3A_2] : memref<4x4x131072xf32, #tpu.memory_space<hbm>> -> memref<1x1x4096xf32, #tpu.memory_space<hbm>>
      %dma_wait3A_87 = tpu.memref_squeeze %dma_wait3A_86 : memref<1x1x4096xf32, #tpu.memory_space<hbm>> -> memref<4096xf32, #tpu.memory_space<hbm>>
      %dma_wait3A_88 = tpu.memref_slice %arg4[%add3A_13, %dma_wait3A_85, %mul3A_2] : memref<4x4x131072xf32, #tpu.memory_space<hbm>> -> memref<1x1x4096xf32, #tpu.memory_space<hbm>>
      %dma_wait3A_89 = tpu.memref_squeeze %dma_wait3A_88 : memref<1x1x4096xf32, #tpu.memory_space<hbm>> -> memref<4096xf32, #tpu.memory_space<hbm>>
      tpu.wait_dma2 semaphore(%arg20 : memref<!tpu.dma_semaphore, #tpu.memory_space<semaphore_mem>>) src(%dma_wait3A_89 : memref<4096xf32, #tpu.memory_space<hbm>>) dst(%arg11 : memref<4096xf32, #tpu.memory_space<vmem>>)
      %dma_wait3A_90 = arith.constant 2 : i32
      %dma_wait3A_91 = tpu.memref_slice %arg4[%add3A_13, %dma_wait3A_90, %mul3A_2] : memref<4x4x131072xf32, #tpu.memory_space<hbm>> -> memref<1x1x4096xf32, #tpu.memory_space<hbm>>
      %dma_wait3A_92 = tpu.memref_squeeze %dma_wait3A_91 : memref<1x1x4096xf32, #tpu.memory_space<hbm>> -> memref<4096xf32, #tpu.memory_space<hbm>>
      %dma_wait3A_93 = tpu.memref_slice %arg4[%add3A_13, %dma_wait3A_90, %mul3A_2] : memref<4x4x131072xf32, #tpu.memory_space<hbm>> -> memref<1x1x4096xf32, #tpu.memory_space<hbm>>
      %dma_wait3A_94 = tpu.memref_squeeze %dma_wait3A_93 : memref<1x1x4096xf32, #tpu.memory_space<hbm>> -> memref<4096xf32, #tpu.memory_space<hbm>>
      tpu.wait_dma2 semaphore(%arg20 : memref<!tpu.dma_semaphore, #tpu.memory_space<semaphore_mem>>) src(%dma_wait3A_94 : memref<4096xf32, #tpu.memory_space<hbm>>) dst(%arg12 : memref<4096xf32, #tpu.memory_space<vmem>>)
      %dma_wait3A_95 = arith.constant 3 : i32
      %dma_wait3A_96 = tpu.memref_slice %arg4[%add3A_13, %dma_wait3A_95, %mul3A_2] : memref<4x4x131072xf32, #tpu.memory_space<hbm>> -> memref<1x1x4096xf32, #tpu.memory_space<hbm>>
      %dma_wait3A_97 = tpu.memref_squeeze %dma_wait3A_96 : memref<1x1x4096xf32, #tpu.memory_space<hbm>> -> memref<4096xf32, #tpu.memory_space<hbm>>
      %dma_wait3A_98 = tpu.memref_slice %arg4[%add3A_13, %dma_wait3A_95, %mul3A_2] : memref<4x4x131072xf32, #tpu.memory_space<hbm>> -> memref<1x1x4096xf32, #tpu.memory_space<hbm>>
      %dma_wait3A_99 = tpu.memref_squeeze %dma_wait3A_98 : memref<1x1x4096xf32, #tpu.memory_space<hbm>> -> memref<4096xf32, #tpu.memory_space<hbm>>
      tpu.wait_dma2 semaphore(%arg20 : memref<!tpu.dma_semaphore, #tpu.memory_space<semaphore_mem>>) src(%dma_wait3A_99 : memref<4096xf32, #tpu.memory_space<hbm>>) dst(%arg13 : memref<4096xf32, #tpu.memory_space<vmem>>)
      %dma_wait3A_100 = arith.constant 0 : i32
      %dma_wait3A_101 = tpu.memref_slice %arg19[%dma_wait3A_100] : memref<1048576xf32, #tpu.memory_space<vmem_shared>> -> memref<1048576xf32, #tpu.memory_space<vmem_shared>>
      tpu.wait_indirect_dma semaphore(%arg21 : memref<!tpu.dma_semaphore, #tpu.memory_space<semaphore_mem>>) src(%dma_wait3A_101 : memref<1048576xf32, #tpu.memory_space<vmem_shared>>) dst(%arg14 : memref<4096xf32, #tpu.memory_space<vmem>>)
      %dma_wait3A_102 = arith.constant 0 : i32
      %dma_wait3A_103 = tpu.memref_slice %arg19[%dma_wait3A_102] : memref<1048576xf32, #tpu.memory_space<vmem_shared>> -> memref<1048576xf32, #tpu.memory_space<vmem_shared>>
      tpu.wait_indirect_dma semaphore(%arg21 : memref<!tpu.dma_semaphore, #tpu.memory_space<semaphore_mem>>) src(%dma_wait3A_103 : memref<1048576xf32, #tpu.memory_space<vmem_shared>>) dst(%arg15 : memref<4096xf32, #tpu.memory_space<vmem>>)
      %dma_wait3A_104 = arith.constant 0 : i32
      %dma_wait3A_105 = tpu.memref_slice %arg19[%dma_wait3A_104] : memref<1048576xf32, #tpu.memory_space<vmem_shared>> -> memref<1048576xf32, #tpu.memory_space<vmem_shared>>
      tpu.wait_indirect_dma semaphore(%arg21 : memref<!tpu.dma_semaphore, #tpu.memory_space<semaphore_mem>>) src(%dma_wait3A_105 : memref<1048576xf32, #tpu.memory_space<vmem_shared>>) dst(%arg16 : memref<4096xf32, #tpu.memory_space<vmem>>)
      %dma_wait3A_106 = arith.constant 0 : i32
      %dma_wait3A_107 = tpu.memref_slice %arg19[%dma_wait3A_106] : memref<1048576xf32, #tpu.memory_space<vmem_shared>> -> memref<1048576xf32, #tpu.memory_space<vmem_shared>>
      tpu.wait_indirect_dma semaphore(%arg21 : memref<!tpu.dma_semaphore, #tpu.memory_space<semaphore_mem>>) src(%dma_wait3A_107 : memref<1048576xf32, #tpu.memory_space<vmem_shared>>) dst(%arg17 : memref<4096xf32, #tpu.memory_space<vmem>>)
      %scan3A_108 = arith.constant 0 : i32
      %scan3A_109 = arith.constant 256 : i32
      %scan3A_110 = arith.addi %scan3A_108, %scan3A_109 : i32
      %scan3A_111 = arith.constant 1 : i32
      scf.for %scan3A_113 = %scan3A_108 to %scan3A_110 step %scan3A_111  : i32 {
        %mul3A_114 = arith.constant 1 : i32
        %mul3A_115 = arith.muli %scan3A_113, %mul3A_114 : i32
        %add3A_116 = arith.constant 0 : i32
        %add3A_117 = arith.addi %add3A_116, %mul3A_115 : i32
        %mul3A_118 = arith.constant 16 : i32
        %mul3A_119 = arith.muli %add3A_117, %mul3A_118 : i32
        %get3A = arith.index_cast %mul3A_119 : i32 to index
        %get3A_120 = tpu.vector_load %arg10[%get3A] {strides = array<i32>} : memref<4096xf32, #tpu.memory_space<vmem>>, vector<16xf32>,
        %get3A_121 = arith.index_cast %mul3A_119 : i32 to index
        %get3A_122 = tpu.vector_load %arg14[%get3A_121] {strides = array<i32>} : memref<4096xf32, #tpu.memory_space<vmem>>, vector<16xf32>,
        %mul3A_123 = arith.mulf %get3A_120, %get3A_122 : vector<16xf32>
        %get3A_124 = arith.index_cast %mul3A_119 : i32 to index
        %get3A_125 = tpu.vector_load %arg11[%get3A_124] {strides = array<i32>} : memref<4096xf32, #tpu.memory_space<vmem>>, vector<16xf32>,
        %get3A_126 = arith.index_cast %mul3A_119 : i32 to index
        %get3A_127 = tpu.vector_load %arg15[%get3A_126] {strides = array<i32>} : memref<4096xf32, #tpu.memory_space<vmem>>, vector<16xf32>,
        %mul3A_128 = arith.mulf %get3A_125, %get3A_127 : vector<16xf32>
        %add3A_129 = arith.addf %mul3A_123, %mul3A_128 : vector<16xf32>
        %get3A_130 = arith.index_cast %mul3A_119 : i32 to index
        %get3A_131 = tpu.vector_load %arg12[%get3A_130] {strides = array<i32>} : memref<4096xf32, #tpu.memory_space<vmem>>, vector<16xf32>,
        %get3A_132 = arith.index_cast %mul3A_119 : i32 to index
        %get3A_133 = tpu.vector_load %arg16[%get3A_132] {strides = array<i32>} : memref<4096xf32, #tpu.memory_space<vmem>>, vector<16xf32>,
        %mul3A_134 = arith.mulf %get3A_131, %get3A_133 : vector<16xf32>
        %add3A_135 = arith.addf %add3A_129, %mul3A_134 : vector<16xf32>
        %get3A_136 = arith.index_cast %mul3A_119 : i32 to index
        %get3A_137 = tpu.vector_load %arg13[%get3A_136] {strides = array<i32>} : memref<4096xf32, #tpu.memory_space<vmem>>, vector<16xf32>,
        %get3A_138 = arith.index_cast %mul3A_119 : i32 to index
        %get3A_139 = tpu.vector_load %arg17[%get3A_138] {strides = array<i32>} : memref<4096xf32, #tpu.memory_space<vmem>>, vector<16xf32>,
        %mul3A_140 = arith.mulf %get3A_137, %get3A_139 : vector<16xf32>
        %add3A_141 = arith.addf %add3A_135, %mul3A_140 : vector<16xf32>
        %swap3A = arith.index_cast %mul3A_119 : i32 to index
        %swap3A_142 = tpu.vector_load %arg18[%swap3A] {strides = array<i32>} : memref<4096xf32, #tpu.memory_space<vmem>>, vector<16xf32>,
        tpu.vector_store %arg18[%swap3A], %add3A_141 {strides = array<i32>} : memref<4096xf32, #tpu.memory_space<vmem>>, vector<16xf32>,
      }
      %scan3A_112 = arith.constant 256 : i32
      "tpu.region"() ({
        %run_scoped3A = tpu.sem_alloc : memref<!tpu.dma_semaphore, #tpu.memory_space<semaphore_mem>>
        %dma_start3A_113 = tpu.memref_slice %arg5[%add3A_13, %mul3A_2] : memref<4x131072xf32, #tpu.memory_space<hbm>> -> memref<1x4096xf32, #tpu.memory_space<hbm>>
        %dma_start3A_114 = tpu.memref_squeeze %dma_start3A_113 : memref<1x4096xf32, #tpu.memory_space<hbm>> -> memref<4096xf32, #tpu.memory_space<hbm>>
        %dma_start3A_115 = tpu.memref_slice %arg5[%add3A_13, %mul3A_2] : memref<4x131072xf32, #tpu.memory_space<hbm>> -> memref<1x4096xf32, #tpu.memory_space<hbm>>
        %dma_start3A_116 = tpu.memref_squeeze %dma_start3A_115 : memref<1x4096xf32, #tpu.memory_space<hbm>> -> memref<4096xf32, #tpu.memory_space<hbm>>
        tpu.enqueue_dma source(%arg18 : memref<4096xf32, #tpu.memory_space<vmem>>) target(%dma_start3A_116 : memref<4096xf32, #tpu.memory_space<hbm>>) target_semaphore(%run_scoped3A : memref<!tpu.dma_semaphore, #tpu.memory_space<semaphore_mem>>)
        %dma_wait3A_117 = tpu.memref_slice %arg5[%add3A_13, %mul3A_2] : memref<4x131072xf32, #tpu.memory_space<hbm>> -> memref<1x4096xf32, #tpu.memory_space<hbm>>
        %dma_wait3A_118 = tpu.memref_squeeze %dma_wait3A_117 : memref<1x4096xf32, #tpu.memory_space<hbm>> -> memref<4096xf32, #tpu.memory_space<hbm>>
        %dma_wait3A_119 = tpu.memref_slice %arg5[%add3A_13, %mul3A_2] : memref<4x131072xf32, #tpu.memory_space<hbm>> -> memref<1x4096xf32, #tpu.memory_space<hbm>>
        %dma_wait3A_120 = tpu.memref_squeeze %dma_wait3A_119 : memref<1x4096xf32, #tpu.memory_space<hbm>> -> memref<4096xf32, #tpu.memory_space<hbm>>
        tpu.wait_dma2 semaphore(%run_scoped3A : memref<!tpu.dma_semaphore, #tpu.memory_space<semaphore_mem>>) src(%arg18 : memref<4096xf32, #tpu.memory_space<vmem>>) dst(%dma_wait3A_120 : memref<4096xf32, #tpu.memory_space<hbm>>)
        tpu.yield
      }) : () -> ()
    }
    %scan3A_8 = arith.constant 4 : i32
    return
  }
}

module attributes {stable_mosaic.version = 14 : i64} {
  func.func @_prep_body(%arg0: i32, %arg1: i32, %arg2: memref<1x4x8192xf32, #tpu.memory_space<vmem>>, %arg3: memref<1x1x8192xf32, #tpu.memory_space<vmem>>, %arg4: memref<1x1x4xf32, #tpu.memory_space<vmem>>, %arg5: memref<1x1x8192xi32, #tpu.memory_space<vmem>>, %arg6: memref<1x4x8192xi32, #tpu.memory_space<vmem>>, %arg7: memref<1x4x8192xf32, #tpu.memory_space<vmem>>) attributes {dimension_semantics = [#tpu.dimension_semantics<arbitrary>, #tpu.dimension_semantics<arbitrary>], iteration_bounds = array<i64: 4, 16>, scalar_prefetch = 0 : i64, scratch_operands = 0 : i64, tpu.core_type = #tpu.core_type<tc>, window_params = [{transform_indices = @transform_0, window_bounds = array<i64: 1, 4, 8192>}, {transform_indices = @transform_1, window_bounds = array<i64: 1, 1, 8192>}, {transform_indices = @transform_2, window_bounds = array<i64: 1, 1, 4>}, {transform_indices = @transform_3, window_bounds = array<i64: 1, 1, 8192>}, {transform_indices = @transform_4, window_bounds = array<i64: 1, 4, 8192>}, {transform_indices = @transform_5, window_bounds = array<i64: 1, 4, 8192>}]} {
    %get3A = arith.constant 0 : index
    %get3A_0 = arith.constant 0 : index
    %get3A_1 = arith.constant 0 : index
    %get3A_2 = vector.load %arg2[%get3A, %get3A_0, %get3A_1] : memref<1x4x8192xf32, #tpu.memory_space<vmem>>, vector<1x1x8192xf32>
    %get3A_3 = vector.shape_cast %get3A_2 : vector<1x1x8192xf32> to vector<1x8192xf32>
    %get3A_4 = arith.constant 0 : index
    %get3A_5 = arith.constant 1 : index
    %get3A_6 = arith.constant 0 : index
    %get3A_7 = vector.load %arg2[%get3A_4, %get3A_5, %get3A_6] : memref<1x4x8192xf32, #tpu.memory_space<vmem>>, vector<1x1x8192xf32>
    %get3A_8 = vector.shape_cast %get3A_7 : vector<1x1x8192xf32> to vector<1x8192xf32>
    %get3A_9 = arith.constant 0 : index
    %get3A_10 = arith.constant 2 : index
    %get3A_11 = arith.constant 0 : index
    %get3A_12 = vector.load %arg2[%get3A_9, %get3A_10, %get3A_11] : memref<1x4x8192xf32, #tpu.memory_space<vmem>>, vector<1x1x8192xf32>
    %get3A_13 = vector.shape_cast %get3A_12 : vector<1x1x8192xf32> to vector<1x8192xf32>
    %get3A_14 = arith.constant 0 : index
    %get3A_15 = arith.constant 0 : index
    %get3A_16 = arith.constant 0 : index
    %get3A_17 = vector.load %arg3[%get3A_14, %get3A_15, %get3A_16] : memref<1x1x8192xf32, #tpu.memory_space<vmem>>, vector<1x1x8192xf32>
    %get3A_18 = vector.shape_cast %get3A_17 : vector<1x1x8192xf32> to vector<1x8192xf32>
    %get3A_19 = arith.constant 0 : index
    %get3A_20 = arith.constant 0 : index
    %get3A_21 = arith.constant 0 : index
    %get3A_22 = vector.load %arg4[%get3A_19, %get3A_20, %get3A_21] : memref<1x1x4xf32, #tpu.memory_space<vmem>>, vector<1x1x1xf32>
    %get3A_23 = vector.extract %get3A_22[0, 0, 0] : f32 from vector<1x1x1xf32>
    %get3A_24 = arith.constant 0 : index
    %get3A_25 = arith.constant 0 : index
    %get3A_26 = arith.constant 1 : index
    %get3A_27 = vector.load %arg4[%get3A_24, %get3A_25, %get3A_26] : memref<1x1x4xf32, #tpu.memory_space<vmem>>, vector<1x1x1xf32>
    %get3A_28 = vector.extract %get3A_27[0, 0, 0] : f32 from vector<1x1x1xf32>
    %get3A_29 = arith.constant 0 : index
    %get3A_30 = arith.constant 0 : index
    %get3A_31 = arith.constant 2 : index
    %get3A_32 = vector.load %arg4[%get3A_29, %get3A_30, %get3A_31] : memref<1x1x4xf32, #tpu.memory_space<vmem>>, vector<1x1x1xf32>
    %get3A_33 = vector.extract %get3A_32[0, 0, 0] : f32 from vector<1x1x1xf32>
    %get3A_34 = arith.constant 0 : index
    %get3A_35 = arith.constant 0 : index
    %get3A_36 = arith.constant 3 : index
    %get3A_37 = vector.load %arg4[%get3A_34, %get3A_35, %get3A_36] : memref<1x1x4xf32, #tpu.memory_space<vmem>>, vector<1x1x1xf32>
    %get3A_38 = vector.extract %get3A_37[0, 0, 0] : f32 from vector<1x1x1xf32>
    %abs3A = math.absf %get3A_13 : vector<1x8192xf32>
    %mul3A = vector.broadcast %get3A_23 : f32 to vector<1x8192xf32>
    %mul3A_39 = arith.mulf %get3A_3, %mul3A : vector<1x8192xf32>
    %div3A = arith.divf %mul3A_39, %abs3A : vector<1x8192xf32>
    %add3A = vector.broadcast %get3A_28 : f32 to vector<1x8192xf32>
    %add3A_40 = arith.addf %div3A, %add3A : vector<1x8192xf32>
    %mul3A_41 = vector.broadcast %get3A_33 : f32 to vector<1x8192xf32>
    %mul3A_42 = arith.mulf %get3A_8, %mul3A_41 : vector<1x8192xf32>
    %div3A_43 = arith.divf %mul3A_42, %abs3A : vector<1x8192xf32>
    %add3A_44 = vector.broadcast %get3A_38 : f32 to vector<1x8192xf32>
    %add3A_45 = arith.addf %div3A_43, %add3A_44 : vector<1x8192xf32>
    %div3A_46 = arith.constant 5.110000e+02 : f32
    %div3A_47 = vector.broadcast %div3A_46 : f32 to vector<1x8192xf32>
    %div3A_48 = arith.divf %add3A_40, %div3A_47 : vector<1x8192xf32>
    %mul3A_49 = arith.constant 2.000000e+00 : f32
    %mul3A_50 = vector.broadcast %mul3A_49 : f32 to vector<1x8192xf32>
    %mul3A_51 = arith.mulf %div3A_48, %mul3A_50 : vector<1x8192xf32>
    %sub3A = arith.constant 1.000000e+00 : f32
    %sub3A_52 = vector.broadcast %sub3A : f32 to vector<1x8192xf32>
    %sub3A_53 = arith.subf %mul3A_51, %sub3A_52 : vector<1x8192xf32>
    %div3A_54 = arith.constant 5.110000e+02 : f32
    %div3A_55 = vector.broadcast %div3A_54 : f32 to vector<1x8192xf32>
    %div3A_56 = arith.divf %add3A_45, %div3A_55 : vector<1x8192xf32>
    %mul3A_57 = arith.constant 2.000000e+00 : f32
    %mul3A_58 = vector.broadcast %mul3A_57 : f32 to vector<1x8192xf32>
    %mul3A_59 = arith.mulf %div3A_56, %mul3A_58 : vector<1x8192xf32>
    %sub3A_60 = arith.constant 1.000000e+00 : f32
    %sub3A_61 = vector.broadcast %sub3A_60 : f32 to vector<1x8192xf32>
    %sub3A_62 = arith.subf %mul3A_59, %sub3A_61 : vector<1x8192xf32>
    %neg3A = arith.constant 0.000000e+00 : f32
    %neg3A_63 = vector.broadcast %neg3A : f32 to vector<1x8192xf32>
    %neg3A_64 = arith.subf %neg3A_63, %sub3A_62 : vector<1x8192xf32>
    %add3A_65 = arith.constant 1.000000e+00 : f32
    %add3A_66 = vector.broadcast %add3A_65 : f32 to vector<1x8192xf32>
    %add3A_67 = arith.addf %sub3A_53, %add3A_66 : vector<1x8192xf32>
    %mul3A_68 = arith.constant 5.000000e-01 : f32
    %mul3A_69 = vector.broadcast %mul3A_68 : f32 to vector<1x8192xf32>
    %mul3A_70 = arith.mulf %add3A_67, %mul3A_69 : vector<1x8192xf32>
    %mul3A_71 = arith.constant 5.110000e+02 : f32
    %mul3A_72 = vector.broadcast %mul3A_71 : f32 to vector<1x8192xf32>
    %mul3A_73 = arith.mulf %mul3A_70, %mul3A_72 : vector<1x8192xf32>
    %add3A_74 = arith.constant 1.000000e+00 : f32
    %add3A_75 = vector.broadcast %add3A_74 : f32 to vector<1x8192xf32>
    %add3A_76 = arith.addf %neg3A_64, %add3A_75 : vector<1x8192xf32>
    %mul3A_77 = arith.constant 5.000000e-01 : f32
    %mul3A_78 = vector.broadcast %mul3A_77 : f32 to vector<1x8192xf32>
    %mul3A_79 = arith.mulf %add3A_76, %mul3A_78 : vector<1x8192xf32>
    %mul3A_80 = arith.constant 5.110000e+02 : f32
    %mul3A_81 = vector.broadcast %mul3A_80 : f32 to vector<1x8192xf32>
    %mul3A_82 = arith.mulf %mul3A_79, %mul3A_81 : vector<1x8192xf32>
    %floor3A = math.floor %mul3A_73 : vector<1x8192xf32>
    %floor3A_83 = math.floor %mul3A_82 : vector<1x8192xf32>
    %add3A_84 = arith.constant 1.000000e+00 : f32
    %add3A_85 = vector.broadcast %add3A_84 : f32 to vector<1x8192xf32>
    %add3A_86 = arith.addf %floor3A, %add3A_85 : vector<1x8192xf32>
    %add3A_87 = arith.constant 1.000000e+00 : f32
    %add3A_88 = vector.broadcast %add3A_87 : f32 to vector<1x8192xf32>
    %add3A_89 = arith.addf %floor3A_83, %add3A_88 : vector<1x8192xf32>
    %sub3A_90 = arith.subf %mul3A_73, %floor3A : vector<1x8192xf32>
    %sub3A_91 = arith.constant 1.000000e+00 : f32
    %sub3A_92 = vector.broadcast %sub3A_91 : f32 to vector<1x8192xf32>
    %sub3A_93 = arith.subf %sub3A_92, %sub3A_90 : vector<1x8192xf32>
    %sub3A_94 = arith.subf %mul3A_82, %floor3A_83 : vector<1x8192xf32>
    %sub3A_95 = arith.constant 1.000000e+00 : f32
    %sub3A_96 = vector.broadcast %sub3A_95 : f32 to vector<1x8192xf32>
    %sub3A_97 = arith.subf %sub3A_96, %sub3A_94 : vector<1x8192xf32>
    %iota3A = tpu.iota {dimensions = array<i32: 1>} : vector<1x8192xi32>
    %mul3A_98 = arith.constant 8192 : i32
    %mul3A_99 = arith.muli %arg1, %mul3A_98 : i32
    %add3A_100 = vector.broadcast %mul3A_99 : i32 to vector<1x8192xi32>
    %add3A_101 = arith.addi %iota3A, %add3A_100 : vector<1x8192xi32>
    %and3A = arith.constant 262143 : i32
    %and3A_102 = vector.broadcast %and3A : i32 to vector<1x8192xi32>
    %and3A_103 = arith.andi %add3A_101, %and3A_102 : vector<1x8192xi32>
    %mul3A_104 = arith.mulf %sub3A_97, %sub3A_93 : vector<1x8192xf32>
    %ge3A = arith.constant 0.000000e+00 : f32
    %ge3A_105 = vector.broadcast %ge3A : f32 to vector<1x8192xf32>
    %ge3A_106 = arith.cmpf oge, %floor3A, %ge3A_105 : vector<1x8192xf32>
    %le3A = arith.constant 5.110000e+02 : f32
    %le3A_107 = vector.broadcast %le3A : f32 to vector<1x8192xf32>
    %le3A_108 = arith.cmpf ole, %floor3A, %le3A_107 : vector<1x8192xf32>
    %and3A_109 = arith.andi %ge3A_106, %le3A_108 : vector<1x8192xi1>
    %ge3A_110 = arith.constant 0.000000e+00 : f32
    %ge3A_111 = vector.broadcast %ge3A_110 : f32 to vector<1x8192xf32>
    %ge3A_112 = arith.cmpf oge, %floor3A_83, %ge3A_111 : vector<1x8192xf32>
    %and3A_113 = arith.andi %and3A_109, %ge3A_112 : vector<1x8192xi1>
    %le3A_114 = arith.constant 5.110000e+02 : f32
    %le3A_115 = vector.broadcast %le3A_114 : f32 to vector<1x8192xf32>
    %le3A_116 = arith.cmpf ole, %floor3A_83, %le3A_115 : vector<1x8192xf32>
    %and3A_117 = arith.andi %and3A_113, %le3A_116 : vector<1x8192xi1>
    %jit3A = arith.constant 0 : i32
    %jit3A_118 = arith.constant 511 : i32
    %convert_element_type3A = arith.sitofp %jit3A : i32 to f32
    %max3A = vector.broadcast %convert_element_type3A : f32 to vector<1x8192xf32>
    %max3A_119 = arith.maximumf %max3A, %floor3A : vector<1x8192xf32>
    %convert_element_type3A_120 = arith.sitofp %jit3A_118 : i32 to f32
    %min3A = vector.broadcast %convert_element_type3A_120 : f32 to vector<1x8192xf32>
    %min3A_121 = arith.minimumf %min3A, %max3A_119 : vector<1x8192xf32>
    %convert_element_type3A_122 = arith.fptosi %min3A_121 : vector<1x8192xf32> to vector<1x8192xi32>
    %jit3A_123 = arith.constant 0 : i32
    %jit3A_124 = arith.constant 511 : i32
    %convert_element_type3A_125 = arith.sitofp %jit3A_123 : i32 to f32
    %max3A_126 = vector.broadcast %convert_element_type3A_125 : f32 to vector<1x8192xf32>
    %max3A_127 = arith.maximumf %max3A_126, %floor3A_83 : vector<1x8192xf32>
    %convert_element_type3A_128 = arith.sitofp %jit3A_124 : i32 to f32
    %min3A_129 = vector.broadcast %convert_element_type3A_128 : f32 to vector<1x8192xf32>
    %min3A_130 = arith.minimumf %min3A_129, %max3A_127 : vector<1x8192xf32>
    %convert_element_type3A_131 = arith.fptosi %min3A_130 : vector<1x8192xf32> to vector<1x8192xi32>
    %mul3A_132 = arith.constant 512 : i32
    %mul3A_133 = vector.broadcast %mul3A_132 : i32 to vector<1x8192xi32>
    %mul3A_134 = arith.muli %convert_element_type3A_131, %mul3A_133 : vector<1x8192xi32>
    %add3A_135 = arith.addi %mul3A_134, %convert_element_type3A_122 : vector<1x8192xi32>
    %select_n3A = arith.select %and3A_117, %add3A_135, %and3A_103 : vector<1x8192xi1>, vector<1x8192xi32>
    %mul3A_136 = arith.constant 262144 : i32
    %mul3A_137 = arith.muli %arg0, %mul3A_136 : i32
    %add3A_138 = vector.broadcast %mul3A_137 : i32 to vector<1x8192xi32>
    %add3A_139 = arith.addi %select_n3A, %add3A_138 : vector<1x8192xi32>
    %convert_element_type3A_140 = arith.extui %and3A_117 : vector<1x8192xi1> to vector<1x8192xi32>
    %convert_element_type3A_141 = arith.sitofp %convert_element_type3A_140 : vector<1x8192xi32> to vector<1x8192xf32>
    %mul3A_142 = arith.mulf %mul3A_104, %convert_element_type3A_141 : vector<1x8192xf32>
    %mul3A_143 = arith.mulf %sub3A_97, %sub3A_90 : vector<1x8192xf32>
    %ge3A_144 = arith.constant 0.000000e+00 : f32
    %ge3A_145 = vector.broadcast %ge3A_144 : f32 to vector<1x8192xf32>
    %ge3A_146 = arith.cmpf oge, %add3A_86, %ge3A_145 : vector<1x8192xf32>
    %le3A_147 = arith.constant 5.110000e+02 : f32
    %le3A_148 = vector.broadcast %le3A_147 : f32 to vector<1x8192xf32>
    %le3A_149 = arith.cmpf ole, %add3A_86, %le3A_148 : vector<1x8192xf32>
    %and3A_150 = arith.andi %ge3A_146, %le3A_149 : vector<1x8192xi1>
    %ge3A_151 = arith.constant 0.000000e+00 : f32
    %ge3A_152 = vector.broadcast %ge3A_151 : f32 to vector<1x8192xf32>
    %ge3A_153 = arith.cmpf oge, %floor3A_83, %ge3A_152 : vector<1x8192xf32>
    %and3A_154 = arith.andi %and3A_150, %ge3A_153 : vector<1x8192xi1>
    %le3A_155 = arith.constant 5.110000e+02 : f32
    %le3A_156 = vector.broadcast %le3A_155 : f32 to vector<1x8192xf32>
    %le3A_157 = arith.cmpf ole, %floor3A_83, %le3A_156 : vector<1x8192xf32>
    %and3A_158 = arith.andi %and3A_154, %le3A_157 : vector<1x8192xi1>
    %jit3A_159 = arith.constant 0 : i32
    %jit3A_160 = arith.constant 511 : i32
    %convert_element_type3A_161 = arith.sitofp %jit3A_159 : i32 to f32
    %max3A_162 = vector.broadcast %convert_element_type3A_161 : f32 to vector<1x8192xf32>
    %max3A_163 = arith.maximumf %max3A_162, %add3A_86 : vector<1x8192xf32>
    %convert_element_type3A_164 = arith.sitofp %jit3A_160 : i32 to f32
    %min3A_165 = vector.broadcast %convert_element_type3A_164 : f32 to vector<1x8192xf32>
    %min3A_166 = arith.minimumf %min3A_165, %max3A_163 : vector<1x8192xf32>
    %convert_element_type3A_167 = arith.fptosi %min3A_166 : vector<1x8192xf32> to vector<1x8192xi32>
    %jit3A_168 = arith.constant 0 : i32
    %jit3A_169 = arith.constant 511 : i32
    %convert_element_type3A_170 = arith.sitofp %jit3A_168 : i32 to f32
    %max3A_171 = vector.broadcast %convert_element_type3A_170 : f32 to vector<1x8192xf32>
    %max3A_172 = arith.maximumf %max3A_171, %floor3A_83 : vector<1x8192xf32>
    %convert_element_type3A_173 = arith.sitofp %jit3A_169 : i32 to f32
    %min3A_174 = vector.broadcast %convert_element_type3A_173 : f32 to vector<1x8192xf32>
    %min3A_175 = arith.minimumf %min3A_174, %max3A_172 : vector<1x8192xf32>
    %convert_element_type3A_176 = arith.fptosi %min3A_175 : vector<1x8192xf32> to vector<1x8192xi32>
    %mul3A_177 = arith.constant 512 : i32
    %mul3A_178 = vector.broadcast %mul3A_177 : i32 to vector<1x8192xi32>
    %mul3A_179 = arith.muli %convert_element_type3A_176, %mul3A_178 : vector<1x8192xi32>
    %add3A_180 = arith.addi %mul3A_179, %convert_element_type3A_167 : vector<1x8192xi32>
    %select_n3A_181 = arith.select %and3A_158, %add3A_180, %and3A_103 : vector<1x8192xi1>, vector<1x8192xi32>
    %mul3A_182 = arith.constant 262144 : i32
    %mul3A_183 = arith.muli %arg0, %mul3A_182 : i32
    %add3A_184 = vector.broadcast %mul3A_183 : i32 to vector<1x8192xi32>
    %add3A_185 = arith.addi %select_n3A_181, %add3A_184 : vector<1x8192xi32>
    %convert_element_type3A_186 = arith.extui %and3A_158 : vector<1x8192xi1> to vector<1x8192xi32>
    %convert_element_type3A_187 = arith.sitofp %convert_element_type3A_186 : vector<1x8192xi32> to vector<1x8192xf32>
    %mul3A_188 = arith.mulf %mul3A_143, %convert_element_type3A_187 : vector<1x8192xf32>
    %mul3A_189 = arith.mulf %sub3A_94, %sub3A_93 : vector<1x8192xf32>
    %ge3A_190 = arith.constant 0.000000e+00 : f32
    %ge3A_191 = vector.broadcast %ge3A_190 : f32 to vector<1x8192xf32>
    %ge3A_192 = arith.cmpf oge, %floor3A, %ge3A_191 : vector<1x8192xf32>
    %le3A_193 = arith.constant 5.110000e+02 : f32
    %le3A_194 = vector.broadcast %le3A_193 : f32 to vector<1x8192xf32>
    %le3A_195 = arith.cmpf ole, %floor3A, %le3A_194 : vector<1x8192xf32>
    %and3A_196 = arith.andi %ge3A_192, %le3A_195 : vector<1x8192xi1>
    %ge3A_197 = arith.constant 0.000000e+00 : f32
    %ge3A_198 = vector.broadcast %ge3A_197 : f32 to vector<1x8192xf32>
    %ge3A_199 = arith.cmpf oge, %add3A_89, %ge3A_198 : vector<1x8192xf32>
    %and3A_200 = arith.andi %and3A_196, %ge3A_199 : vector<1x8192xi1>
    %le3A_201 = arith.constant 5.110000e+02 : f32
    %le3A_202 = vector.broadcast %le3A_201 : f32 to vector<1x8192xf32>
    %le3A_203 = arith.cmpf ole, %add3A_89, %le3A_202 : vector<1x8192xf32>
    %and3A_204 = arith.andi %and3A_200, %le3A_203 : vector<1x8192xi1>
    %jit3A_205 = arith.constant 0 : i32
    %jit3A_206 = arith.constant 511 : i32
    %convert_element_type3A_207 = arith.sitofp %jit3A_205 : i32 to f32
    %max3A_208 = vector.broadcast %convert_element_type3A_207 : f32 to vector<1x8192xf32>
    %max3A_209 = arith.maximumf %max3A_208, %floor3A : vector<1x8192xf32>
    %convert_element_type3A_210 = arith.sitofp %jit3A_206 : i32 to f32
    %min3A_211 = vector.broadcast %convert_element_type3A_210 : f32 to vector<1x8192xf32>
    %min3A_212 = arith.minimumf %min3A_211, %max3A_209 : vector<1x8192xf32>
    %convert_element_type3A_213 = arith.fptosi %min3A_212 : vector<1x8192xf32> to vector<1x8192xi32>
    %jit3A_214 = arith.constant 0 : i32
    %jit3A_215 = arith.constant 511 : i32
    %convert_element_type3A_216 = arith.sitofp %jit3A_214 : i32 to f32
    %max3A_217 = vector.broadcast %convert_element_type3A_216 : f32 to vector<1x8192xf32>
    %max3A_218 = arith.maximumf %max3A_217, %add3A_89 : vector<1x8192xf32>
    %convert_element_type3A_219 = arith.sitofp %jit3A_215 : i32 to f32
    %min3A_220 = vector.broadcast %convert_element_type3A_219 : f32 to vector<1x8192xf32>
    %min3A_221 = arith.minimumf %min3A_220, %max3A_218 : vector<1x8192xf32>
    %convert_element_type3A_222 = arith.fptosi %min3A_221 : vector<1x8192xf32> to vector<1x8192xi32>
    %mul3A_223 = arith.constant 512 : i32
    %mul3A_224 = vector.broadcast %mul3A_223 : i32 to vector<1x8192xi32>
    %mul3A_225 = arith.muli %convert_element_type3A_222, %mul3A_224 : vector<1x8192xi32>
    %add3A_226 = arith.addi %mul3A_225, %convert_element_type3A_213 : vector<1x8192xi32>
    %select_n3A_227 = arith.select %and3A_204, %add3A_226, %and3A_103 : vector<1x8192xi1>, vector<1x8192xi32>
    %mul3A_228 = arith.constant 262144 : i32
    %mul3A_229 = arith.muli %arg0, %mul3A_228 : i32
    %add3A_230 = vector.broadcast %mul3A_229 : i32 to vector<1x8192xi32>
    %add3A_231 = arith.addi %select_n3A_227, %add3A_230 : vector<1x8192xi32>
    %convert_element_type3A_232 = arith.extui %and3A_204 : vector<1x8192xi1> to vector<1x8192xi32>
    %convert_element_type3A_233 = arith.sitofp %convert_element_type3A_232 : vector<1x8192xi32> to vector<1x8192xf32>
    %mul3A_234 = arith.mulf %mul3A_189, %convert_element_type3A_233 : vector<1x8192xf32>
    %mul3A_235 = arith.mulf %sub3A_94, %sub3A_90 : vector<1x8192xf32>
    %ge3A_236 = arith.constant 0.000000e+00 : f32
    %ge3A_237 = vector.broadcast %ge3A_236 : f32 to vector<1x8192xf32>
    %ge3A_238 = arith.cmpf oge, %add3A_86, %ge3A_237 : vector<1x8192xf32>
    %le3A_239 = arith.constant 5.110000e+02 : f32
    %le3A_240 = vector.broadcast %le3A_239 : f32 to vector<1x8192xf32>
    %le3A_241 = arith.cmpf ole, %add3A_86, %le3A_240 : vector<1x8192xf32>
    %and3A_242 = arith.andi %ge3A_238, %le3A_241 : vector<1x8192xi1>
    %ge3A_243 = arith.constant 0.000000e+00 : f32
    %ge3A_244 = vector.broadcast %ge3A_243 : f32 to vector<1x8192xf32>
    %ge3A_245 = arith.cmpf oge, %add3A_89, %ge3A_244 : vector<1x8192xf32>
    %and3A_246 = arith.andi %and3A_242, %ge3A_245 : vector<1x8192xi1>
    %le3A_247 = arith.constant 5.110000e+02 : f32
    %le3A_248 = vector.broadcast %le3A_247 : f32 to vector<1x8192xf32>
    %le3A_249 = arith.cmpf ole, %add3A_89, %le3A_248 : vector<1x8192xf32>
    %and3A_250 = arith.andi %and3A_246, %le3A_249 : vector<1x8192xi1>
    %jit3A_251 = arith.constant 0 : i32
    %jit3A_252 = arith.constant 511 : i32
    %convert_element_type3A_253 = arith.sitofp %jit3A_251 : i32 to f32
    %max3A_254 = vector.broadcast %convert_element_type3A_253 : f32 to vector<1x8192xf32>
    %max3A_255 = arith.maximumf %max3A_254, %add3A_86 : vector<1x8192xf32>
    %convert_element_type3A_256 = arith.sitofp %jit3A_252 : i32 to f32
    %min3A_257 = vector.broadcast %convert_element_type3A_256 : f32 to vector<1x8192xf32>
    %min3A_258 = arith.minimumf %min3A_257, %max3A_255 : vector<1x8192xf32>
    %convert_element_type3A_259 = arith.fptosi %min3A_258 : vector<1x8192xf32> to vector<1x8192xi32>
    %jit3A_260 = arith.constant 0 : i32
    %jit3A_261 = arith.constant 511 : i32
    %convert_element_type3A_262 = arith.sitofp %jit3A_260 : i32 to f32
    %max3A_263 = vector.broadcast %convert_element_type3A_262 : f32 to vector<1x8192xf32>
    %max3A_264 = arith.maximumf %max3A_263, %add3A_89 : vector<1x8192xf32>
    %convert_element_type3A_265 = arith.sitofp %jit3A_261 : i32 to f32
    %min3A_266 = vector.broadcast %convert_element_type3A_265 : f32 to vector<1x8192xf32>
    %min3A_267 = arith.minimumf %min3A_266, %max3A_264 : vector<1x8192xf32>
    %convert_element_type3A_268 = arith.fptosi %min3A_267 : vector<1x8192xf32> to vector<1x8192xi32>
    %mul3A_269 = arith.constant 512 : i32
    %mul3A_270 = vector.broadcast %mul3A_269 : i32 to vector<1x8192xi32>
    %mul3A_271 = arith.muli %convert_element_type3A_268, %mul3A_270 : vector<1x8192xi32>
    %add3A_272 = arith.addi %mul3A_271, %convert_element_type3A_259 : vector<1x8192xi32>
    %select_n3A_273 = arith.select %and3A_250, %add3A_272, %and3A_103 : vector<1x8192xi1>, vector<1x8192xi32>
    %mul3A_274 = arith.constant 262144 : i32
    %mul3A_275 = arith.muli %arg0, %mul3A_274 : i32
    %add3A_276 = vector.broadcast %mul3A_275 : i32 to vector<1x8192xi32>
    %add3A_277 = arith.addi %select_n3A_273, %add3A_276 : vector<1x8192xi32>
    %convert_element_type3A_278 = arith.extui %and3A_250 : vector<1x8192xi1> to vector<1x8192xi32>
    %convert_element_type3A_279 = arith.sitofp %convert_element_type3A_278 : vector<1x8192xi32> to vector<1x8192xf32>
    %mul3A_280 = arith.mulf %mul3A_235, %convert_element_type3A_279 : vector<1x8192xf32>
    %concatenate3A = tpu.concatenate %add3A_139, %add3A_185, %add3A_231, %add3A_277 in 0 : vector<1x8192xi32>, vector<1x8192xi32>, vector<1x8192xi32>, vector<1x8192xi32> -> vector<4x8192xi32>
    %swap3A = arith.constant 0 : index
    %swap3A_281 = arith.constant 0 : index
    %swap3A_282 = arith.constant 0 : index
    %swap3A_283 = vector.load %arg6[%swap3A, %swap3A_281, %swap3A_282] : memref<1x4x8192xi32, #tpu.memory_space<vmem>>, vector<1x4x8192xi32>
    %swap3A_284 = vector.shape_cast %swap3A_283 : vector<1x4x8192xi32> to vector<4x8192xi32>
    %swap3A_285 = vector.shape_cast %concatenate3A : vector<4x8192xi32> to vector<1x4x8192xi32>
    tpu.vector_store %arg6[%swap3A, %swap3A_281, %swap3A_282], %swap3A_285 {strides = array<i32>} : memref<1x4x8192xi32, #tpu.memory_space<vmem>>, vector<1x4x8192xi32>,
    %concatenate3A_286 = tpu.concatenate %mul3A_142, %mul3A_188, %mul3A_234, %mul3A_280 in 0 : vector<1x8192xf32>, vector<1x8192xf32>, vector<1x8192xf32>, vector<1x8192xf32> -> vector<4x8192xf32>
    %swap3A_287 = arith.constant 0 : index
    %swap3A_288 = arith.constant 0 : index
    %swap3A_289 = arith.constant 0 : index
    %swap3A_290 = vector.load %arg7[%swap3A_287, %swap3A_288, %swap3A_289] : memref<1x4x8192xf32, #tpu.memory_space<vmem>>, vector<1x4x8192xf32>
    %swap3A_291 = vector.shape_cast %swap3A_290 : vector<1x4x8192xf32> to vector<4x8192xf32>
    %swap3A_292 = vector.shape_cast %concatenate3A_286 : vector<4x8192xf32> to vector<1x4x8192xf32>
    tpu.vector_store %arg7[%swap3A_287, %swap3A_288, %swap3A_289], %swap3A_292 {strides = array<i32>} : memref<1x4x8192xf32, #tpu.memory_space<vmem>>, vector<1x4x8192xf32>,
    %mul3A_293 = arith.constant 2.000000e+00 : f32
    %mul3A_294 = vector.broadcast %mul3A_293 : f32 to vector<1x8192xf32>
    %mul3A_295 = arith.mulf %add3A_40, %mul3A_294 : vector<1x8192xf32>
    %mul3A_296 = arith.constant 2.000000e+00 : f32
    %mul3A_297 = vector.broadcast %mul3A_296 : f32 to vector<1x8192xf32>
    %mul3A_298 = arith.mulf %add3A_45, %mul3A_297 : vector<1x8192xf32>
    %round3A = math.roundeven %mul3A_295 : vector<1x8192xf32>
    %round3A_299 = math.roundeven %mul3A_298 : vector<1x8192xf32>
    %lt3A = arith.constant 0.000000e+00 : f32
    %lt3A_300 = vector.broadcast %lt3A : f32 to vector<1x8192xf32>
    %lt3A_301 = arith.cmpf olt, %round3A, %lt3A_300 : vector<1x8192xf32>
    %ge3A_302 = arith.constant 1.024000e+03 : f32
    %ge3A_303 = vector.broadcast %ge3A_302 : f32 to vector<1x8192xf32>
    %ge3A_304 = arith.cmpf oge, %round3A, %ge3A_303 : vector<1x8192xf32>
    %or3A = arith.ori %lt3A_301, %ge3A_304 : vector<1x8192xi1>
    %lt3A_305 = arith.constant 0.000000e+00 : f32
    %lt3A_306 = vector.broadcast %lt3A_305 : f32 to vector<1x8192xf32>
    %lt3A_307 = arith.cmpf olt, %round3A_299, %lt3A_306 : vector<1x8192xf32>
    %or3A_308 = arith.ori %or3A, %lt3A_307 : vector<1x8192xi1>
    %ge3A_309 = arith.constant 1.024000e+03 : f32
    %ge3A_310 = vector.broadcast %ge3A_309 : f32 to vector<1x8192xf32>
    %ge3A_311 = arith.cmpf oge, %round3A_299, %ge3A_310 : vector<1x8192xf32>
    %or3A_312 = arith.ori %or3A_308, %ge3A_311 : vector<1x8192xi1>
    %lt3A_313 = arith.constant 1.000000e-01 : f32
    %lt3A_314 = vector.broadcast %lt3A_313 : f32 to vector<1x8192xf32>
    %lt3A_315 = arith.cmpf olt, %abs3A, %lt3A_314 : vector<1x8192xf32>
    %or3A_316 = arith.ori %or3A_312, %lt3A_315 : vector<1x8192xi1>
    %gt3A = arith.constant 1.000000e+02 : f32
    %gt3A_317 = vector.broadcast %gt3A : f32 to vector<1x8192xf32>
    %gt3A_318 = arith.cmpf ogt, %abs3A, %gt3A_317 : vector<1x8192xf32>
    %or3A_319 = arith.ori %or3A_316, %gt3A_318 : vector<1x8192xi1>
    %le3A_320 = arith.constant 0.000000e+00 : f32
    %le3A_321 = vector.broadcast %le3A_320 : f32 to vector<1x8192xf32>
    %le3A_322 = arith.cmpf ole, %get3A_18, %le3A_321 : vector<1x8192xf32>
    %or3A_323 = arith.ori %or3A_319, %le3A_322 : vector<1x8192xi1>
    %not3A = arith.constant dense<true> : vector<1x8192xi1>
    %not3A_324 = arith.xori %or3A_323, %not3A : vector<1x8192xi1>
    %jit3A_325 = arith.constant 0 : i32
    %jit3A_326 = arith.constant 1023 : i32
    %convert_element_type3A_327 = arith.sitofp %jit3A_325 : i32 to f32
    %max3A_328 = vector.broadcast %convert_element_type3A_327 : f32 to vector<1x8192xf32>
    %max3A_329 = arith.maximumf %max3A_328, %round3A : vector<1x8192xf32>
    %convert_element_type3A_330 = arith.sitofp %jit3A_326 : i32 to f32
    %min3A_331 = vector.broadcast %convert_element_type3A_330 : f32 to vector<1x8192xf32>
    %min3A_332 = arith.minimumf %min3A_331, %max3A_329 : vector<1x8192xf32>
    %convert_element_type3A_333 = arith.fptosi %min3A_332 : vector<1x8192xf32> to vector<1x8192xi32>
    %jit3A_334 = arith.constant 0 : i32
    %jit3A_335 = arith.constant 1023 : i32
    %convert_element_type3A_336 = arith.sitofp %jit3A_334 : i32 to f32
    %max3A_337 = vector.broadcast %convert_element_type3A_336 : f32 to vector<1x8192xf32>
    %max3A_338 = arith.maximumf %max3A_337, %round3A_299 : vector<1x8192xf32>
    %convert_element_type3A_339 = arith.sitofp %jit3A_335 : i32 to f32
    %min3A_340 = vector.broadcast %convert_element_type3A_339 : f32 to vector<1x8192xf32>
    %min3A_341 = arith.minimumf %min3A_340, %max3A_338 : vector<1x8192xf32>
    %convert_element_type3A_342 = arith.fptosi %min3A_341 : vector<1x8192xf32> to vector<1x8192xi32>
    %and3A_343 = arith.constant 1 : i32
    %and3A_344 = vector.broadcast %and3A_343 : i32 to vector<1x8192xi32>
    %and3A_345 = arith.andi %convert_element_type3A_342, %and3A_344 : vector<1x8192xi32>
    %shift_left3A = arith.constant 1 : i32
    %shift_left3A_346 = vector.broadcast %shift_left3A : i32 to vector<1x8192xi32>
    %shift_left3A_347 = arith.shli %and3A_345, %shift_left3A_346 : vector<1x8192xi32>
    %and3A_348 = arith.constant 1 : i32
    %and3A_349 = vector.broadcast %and3A_348 : i32 to vector<1x8192xi32>
    %and3A_350 = arith.andi %convert_element_type3A_333, %and3A_349 : vector<1x8192xi32>
    %or3A_351 = arith.ori %shift_left3A_347, %and3A_350 : vector<1x8192xi32>
    %shift_right_arithmetic3A = arith.constant 1 : i32
    %shift_right_arithmetic3A_352 = vector.broadcast %shift_right_arithmetic3A : i32 to vector<1x8192xi32>
    %shift_right_arithmetic3A_353 = arith.shrsi %convert_element_type3A_342, %shift_right_arithmetic3A_352 : vector<1x8192xi32>
    %sub3A_354 = arith.constant 511 : i32
    %sub3A_355 = vector.broadcast %sub3A_354 : i32 to vector<1x8192xi32>
    %sub3A_356 = arith.subi %sub3A_355, %shift_right_arithmetic3A_353 : vector<1x8192xi32>
    %shift_right_arithmetic3A_357 = arith.constant 1 : i32
    %shift_right_arithmetic3A_358 = vector.broadcast %shift_right_arithmetic3A_357 : i32 to vector<1x8192xi32>
    %shift_right_arithmetic3A_359 = arith.shrsi %convert_element_type3A_333, %shift_right_arithmetic3A_358 : vector<1x8192xi32>
    %mul3A_360 = arith.constant 4 : i32
    %mul3A_361 = vector.broadcast %mul3A_360 : i32 to vector<1x8192xi32>
    %mul3A_362 = arith.muli %sub3A_356, %mul3A_361 : vector<1x8192xi32>
    %add3A_363 = arith.addi %mul3A_362, %or3A_351 : vector<1x8192xi32>
    %mul3A_364 = arith.constant 512 : i32
    %mul3A_365 = vector.broadcast %mul3A_364 : i32 to vector<1x8192xi32>
    %mul3A_366 = arith.muli %add3A_363, %mul3A_365 : vector<1x8192xi32>
    %add3A_367 = arith.addi %mul3A_366, %shift_right_arithmetic3A_359 : vector<1x8192xi32>
    %jit3A_368 = arith.constant 1048576 : i32
    %broadcast_in_dim3A = vector.broadcast %jit3A_368 : i32 to vector<1x8192xi32>
    %select_n3A_369 = arith.select %not3A_324, %add3A_367, %broadcast_in_dim3A : vector<1x8192xi1>, vector<1x8192xi32>
    %swap3A_370 = arith.constant 0 : index
    %swap3A_371 = arith.constant 0 : index
    %swap3A_372 = arith.constant 0 : index
    %swap3A_373 = vector.load %arg5[%swap3A_370, %swap3A_371, %swap3A_372] : memref<1x1x8192xi32, #tpu.memory_space<vmem>>, vector<1x1x8192xi32>
    %swap3A_374 = vector.shape_cast %swap3A_373 : vector<1x1x8192xi32> to vector<1x8192xi32>
    %swap3A_375 = vector.shape_cast %select_n3A_369 : vector<1x8192xi32> to vector<1x1x8192xi32>
    tpu.vector_store %arg5[%swap3A_370, %swap3A_371, %swap3A_372], %swap3A_375 {strides = array<i32>} : memref<1x1x8192xi32, #tpu.memory_space<vmem>>, vector<1x1x8192xi32>,
    return
  }
  func.func @transform_0(%arg0: i32, %arg1: i32) -> (i32, i32, i32) {
    %c0_i32 = arith.constant 0 : i32
    %c0_i32_0 = arith.constant 0 : i32
    return %arg0, %c0_i32, %arg1 : i32, i32, i32
  }
  func.func @transform_1(%arg0: i32, %arg1: i32) -> (i32, i32, i32) {
    %c0_i32 = arith.constant 0 : i32
    %c0_i32_0 = arith.constant 0 : i32
    return %arg0, %c0_i32, %arg1 : i32, i32, i32
  }
  func.func @transform_2(%arg0: i32, %arg1: i32) -> (i32, i32, i32) {
    %c0_i32 = arith.constant 0 : i32
    %c0_i32_0 = arith.constant 0 : i32
    %c0_i32_1 = arith.constant 0 : i32
    return %arg0, %c0_i32, %c0_i32_0 : i32, i32, i32
  }
  func.func @transform_3(%arg0: i32, %arg1: i32) -> (i32, i32, i32) {
    %c0_i32 = arith.constant 0 : i32
    %c0_i32_0 = arith.constant 0 : i32
    return %arg0, %c0_i32, %arg1 : i32, i32, i32
  }
  func.func @transform_4(%arg0: i32, %arg1: i32) -> (i32, i32, i32) {
    %c0_i32 = arith.constant 0 : i32
    %c0_i32_0 = arith.constant 0 : i32
    return %arg0, %c0_i32, %arg1 : i32, i32, i32
  }
  func.func @transform_5(%arg0: i32, %arg1: i32) -> (i32, i32, i32) {
    %c0_i32 = arith.constant 0 : i32
    %c0_i32_0 = arith.constant 0 : i32
    return %arg0, %c0_i32, %arg1 : i32, i32, i32
  }
}

module attributes {stable_mosaic.version = 14 : i64} {
  func.func @_pool_body(%arg0: i32, %arg1: i32, %arg2: memref<1x4x256x512xf32, #tpu.memory_space<vmem>>, %arg3: memref<1x4x256x512xi32, #tpu.memory_space<vmem>>, %arg4: memref<1x1x256x512xf32, #tpu.memory_space<vmem>>, %arg5: memref<1x1x256x512xf32, #tpu.memory_space<vmem>>, %arg6: memref<1x1x256x512xi32, #tpu.memory_space<vmem>>) attributes {dimension_semantics = [#tpu.dimension_semantics<arbitrary>, #tpu.dimension_semantics<arbitrary>], iteration_bounds = array<i64: 4, 2>, scalar_prefetch = 0 : i64, scratch_operands = 0 : i64, tpu.core_type = #tpu.core_type<tc>, window_params = [{transform_indices = @transform_0, window_bounds = array<i64: 1, 4, 256, 512>}, {transform_indices = @transform_1, window_bounds = array<i64: 1, 4, 256, 512>}, {transform_indices = @transform_2, window_bounds = array<i64: 1, 1, 256, 512>}, {transform_indices = @transform_3, window_bounds = array<i64: 1, 1, 256, 512>}, {transform_indices = @transform_4, window_bounds = array<i64: 1, 1, 256, 512>}]} {
    %get3A = arith.constant 0 : index
    %get3A_0 = arith.constant 0 : index
    %get3A_1 = arith.constant 0 : index
    %get3A_2 = arith.constant 0 : index
    %get3A_3 = vector.load %arg4[%get3A, %get3A_0, %get3A_1, %get3A_2] : memref<1x1x256x512xf32, #tpu.memory_space<vmem>>, vector<1x1x256x512xf32>
    %get3A_4 = vector.shape_cast %get3A_3 : vector<1x1x256x512xf32> to vector<256x512xf32>
    %gt3A = arith.constant 0.000000e+00 : f32
    %gt3A_5 = vector.broadcast %gt3A : f32 to vector<256x512xf32>
    %gt3A_6 = arith.cmpf ogt, %get3A_4, %gt3A_5 : vector<256x512xf32>
    %get3A_7 = arith.constant 0 : index
    %get3A_8 = arith.constant 0 : index
    %get3A_9 = arith.constant 0 : index
    %get3A_10 = arith.constant 0 : index
    %get3A_11 = vector.load %arg2[%get3A_7, %get3A_8, %get3A_9, %get3A_10] : memref<1x4x256x512xf32, #tpu.memory_space<vmem>>, vector<1x1x256x512xf32>
    %get3A_12 = vector.shape_cast %get3A_11 : vector<1x1x256x512xf32> to vector<256x512xf32>
    %get3A_13 = arith.constant 0 : index
    %get3A_14 = arith.constant 0 : index
    %get3A_15 = arith.constant 0 : index
    %get3A_16 = arith.constant 0 : index
    %get3A_17 = vector.load %arg3[%get3A_13, %get3A_14, %get3A_15, %get3A_16] : memref<1x4x256x512xi32, #tpu.memory_space<vmem>>, vector<1x1x256x512xi32>
    %get3A_18 = vector.shape_cast %get3A_17 : vector<1x1x256x512xi32> to vector<256x512xi32>
    %gt3A_19 = arith.constant 0.000000e+00 : f32
    %gt3A_20 = vector.broadcast %gt3A_19 : f32 to vector<256x512xf32>
    %gt3A_21 = arith.cmpf ogt, %get3A_12, %gt3A_20 : vector<256x512xf32>
    %and3A = arith.andi %gt3A_6, %gt3A_21 : vector<256x512xi1>
    %jit3A = arith.constant 0.000000e+00 : f32
    %broadcast_in_dim3A = vector.broadcast %jit3A : f32 to vector<256x512xf32>
    %select_n3A = arith.select %and3A, %get3A_12, %broadcast_in_dim3A : vector<256x512xi1>, vector<256x512xf32>
    %jit3A_22 = arith.constant -1 : i32
    %broadcast_in_dim3A_23 = vector.broadcast %jit3A_22 : i32 to vector<256x512xi32>
    %select_n3A_24 = arith.select %and3A, %get3A_18, %broadcast_in_dim3A_23 : vector<256x512xi1>, vector<256x512xi32>
    %get3A_25 = arith.constant 0 : index
    %get3A_26 = arith.constant 1 : index
    %get3A_27 = arith.constant 0 : index
    %get3A_28 = arith.constant 0 : index
    %get3A_29 = vector.load %arg2[%get3A_25, %get3A_26, %get3A_27, %get3A_28] : memref<1x4x256x512xf32, #tpu.memory_space<vmem>>, vector<1x1x256x512xf32>
    %get3A_30 = vector.shape_cast %get3A_29 : vector<1x1x256x512xf32> to vector<256x512xf32>
    %get3A_31 = arith.constant 0 : index
    %get3A_32 = arith.constant 1 : index
    %get3A_33 = arith.constant 0 : index
    %get3A_34 = arith.constant 0 : index
    %get3A_35 = vector.load %arg3[%get3A_31, %get3A_32, %get3A_33, %get3A_34] : memref<1x4x256x512xi32, #tpu.memory_space<vmem>>, vector<1x1x256x512xi32>
    %get3A_36 = vector.shape_cast %get3A_35 : vector<1x1x256x512xi32> to vector<256x512xi32>
    %gt3A_37 = arith.constant 0.000000e+00 : f32
    %gt3A_38 = vector.broadcast %gt3A_37 : f32 to vector<256x512xf32>
    %gt3A_39 = arith.cmpf ogt, %get3A_30, %gt3A_38 : vector<256x512xf32>
    %and3A_40 = arith.andi %gt3A_6, %gt3A_39 : vector<256x512xi1>
    %jit3A_41 = arith.constant 0.000000e+00 : f32
    %broadcast_in_dim3A_42 = vector.broadcast %jit3A_41 : f32 to vector<256x512xf32>
    %select_n3A_43 = arith.select %and3A_40, %get3A_30, %broadcast_in_dim3A_42 : vector<256x512xi1>, vector<256x512xf32>
    %jit3A_44 = arith.constant -1 : i32
    %broadcast_in_dim3A_45 = vector.broadcast %jit3A_44 : i32 to vector<256x512xi32>
    %select_n3A_46 = arith.select %and3A_40, %get3A_36, %broadcast_in_dim3A_45 : vector<256x512xi1>, vector<256x512xi32>
    %gt3A_47 = arith.cmpf ogt, %select_n3A_43, %select_n3A : vector<256x512xf32>
    %select_n3A_48 = arith.select %gt3A_47, %select_n3A_43, %select_n3A : vector<256x512xi1>, vector<256x512xf32>
    %select_n3A_49 = arith.select %gt3A_47, %select_n3A_46, %select_n3A_24 : vector<256x512xi1>, vector<256x512xi32>
    %or3A = arith.ori %and3A, %and3A_40 : vector<256x512xi1>
    %get3A_50 = arith.constant 0 : index
    %get3A_51 = arith.constant 2 : index
    %get3A_52 = arith.constant 0 : index
    %get3A_53 = arith.constant 0 : index
    %get3A_54 = vector.load %arg2[%get3A_50, %get3A_51, %get3A_52, %get3A_53] : memref<1x4x256x512xf32, #tpu.memory_space<vmem>>, vector<1x1x256x512xf32>
    %get3A_55 = vector.shape_cast %get3A_54 : vector<1x1x256x512xf32> to vector<256x512xf32>
    %get3A_56 = arith.constant 0 : index
    %get3A_57 = arith.constant 2 : index
    %get3A_58 = arith.constant 0 : index
    %get3A_59 = arith.constant 0 : index
    %get3A_60 = vector.load %arg3[%get3A_56, %get3A_57, %get3A_58, %get3A_59] : memref<1x4x256x512xi32, #tpu.memory_space<vmem>>, vector<1x1x256x512xi32>
    %get3A_61 = vector.shape_cast %get3A_60 : vector<1x1x256x512xi32> to vector<256x512xi32>
    %gt3A_62 = arith.constant 0.000000e+00 : f32
    %gt3A_63 = vector.broadcast %gt3A_62 : f32 to vector<256x512xf32>
    %gt3A_64 = arith.cmpf ogt, %get3A_55, %gt3A_63 : vector<256x512xf32>
    %and3A_65 = arith.andi %gt3A_6, %gt3A_64 : vector<256x512xi1>
    %jit3A_66 = arith.constant 0.000000e+00 : f32
    %broadcast_in_dim3A_67 = vector.broadcast %jit3A_66 : f32 to vector<256x512xf32>
    %select_n3A_68 = arith.select %and3A_65, %get3A_55, %broadcast_in_dim3A_67 : vector<256x512xi1>, vector<256x512xf32>
    %jit3A_69 = arith.constant -1 : i32
    %broadcast_in_dim3A_70 = vector.broadcast %jit3A_69 : i32 to vector<256x512xi32>
    %select_n3A_71 = arith.select %and3A_65, %get3A_61, %broadcast_in_dim3A_70 : vector<256x512xi1>, vector<256x512xi32>
    %gt3A_72 = arith.cmpf ogt, %select_n3A_68, %select_n3A_48 : vector<256x512xf32>
    %select_n3A_73 = arith.select %gt3A_72, %select_n3A_68, %select_n3A_48 : vector<256x512xi1>, vector<256x512xf32>
    %select_n3A_74 = arith.select %gt3A_72, %select_n3A_71, %select_n3A_49 : vector<256x512xi1>, vector<256x512xi32>
    %or3A_75 = arith.ori %or3A, %and3A_65 : vector<256x512xi1>
    %get3A_76 = arith.constant 0 : index
    %get3A_77 = arith.constant 3 : index
    %get3A_78 = arith.constant 0 : index
    %get3A_79 = arith.constant 0 : index
    %get3A_80 = vector.load %arg2[%get3A_76, %get3A_77, %get3A_78, %get3A_79] : memref<1x4x256x512xf32, #tpu.memory_space<vmem>>, vector<1x1x256x512xf32>
    %get3A_81 = vector.shape_cast %get3A_80 : vector<1x1x256x512xf32> to vector<256x512xf32>
    %get3A_82 = arith.constant 0 : index
    %get3A_83 = arith.constant 3 : index
    %get3A_84 = arith.constant 0 : index
    %get3A_85 = arith.constant 0 : index
    %get3A_86 = vector.load %arg3[%get3A_82, %get3A_83, %get3A_84, %get3A_85] : memref<1x4x256x512xi32, #tpu.memory_space<vmem>>, vector<1x1x256x512xi32>
    %get3A_87 = vector.shape_cast %get3A_86 : vector<1x1x256x512xi32> to vector<256x512xi32>
    %gt3A_88 = arith.constant 0.000000e+00 : f32
    %gt3A_89 = vector.broadcast %gt3A_88 : f32 to vector<256x512xf32>
    %gt3A_90 = arith.cmpf ogt, %get3A_81, %gt3A_89 : vector<256x512xf32>
    %and3A_91 = arith.andi %gt3A_6, %gt3A_90 : vector<256x512xi1>
    %jit3A_92 = arith.constant 0.000000e+00 : f32
    %broadcast_in_dim3A_93 = vector.broadcast %jit3A_92 : f32 to vector<256x512xf32>
    %select_n3A_94 = arith.select %and3A_91, %get3A_81, %broadcast_in_dim3A_93 : vector<256x512xi1>, vector<256x512xf32>
    %jit3A_95 = arith.constant -1 : i32
    %broadcast_in_dim3A_96 = vector.broadcast %jit3A_95 : i32 to vector<256x512xi32>
    %select_n3A_97 = arith.select %and3A_91, %get3A_87, %broadcast_in_dim3A_96 : vector<256x512xi1>, vector<256x512xi32>
    %gt3A_98 = arith.cmpf ogt, %select_n3A_94, %select_n3A_73 : vector<256x512xf32>
    %select_n3A_99 = arith.select %gt3A_98, %select_n3A_97, %select_n3A_74 : vector<256x512xi1>, vector<256x512xi32>
    %or3A_100 = arith.ori %or3A_75, %and3A_91 : vector<256x512xi1>
    %convert_element_type3A = arith.extui %or3A_100 : vector<256x512xi1> to vector<256x512xi32>
    %convert_element_type3A_101 = arith.sitofp %convert_element_type3A : vector<256x512xi32> to vector<256x512xf32>
    %swap3A = arith.constant 0 : index
    %swap3A_102 = arith.constant 0 : index
    %swap3A_103 = arith.constant 0 : index
    %swap3A_104 = arith.constant 0 : index
    %swap3A_105 = vector.load %arg5[%swap3A, %swap3A_102, %swap3A_103, %swap3A_104] : memref<1x1x256x512xf32, #tpu.memory_space<vmem>>, vector<1x1x256x512xf32>
    %swap3A_106 = vector.shape_cast %swap3A_105 : vector<1x1x256x512xf32> to vector<256x512xf32>
    %swap3A_107 = vector.shape_cast %convert_element_type3A_101 : vector<256x512xf32> to vector<1x1x256x512xf32>
    tpu.vector_store %arg5[%swap3A, %swap3A_102, %swap3A_103, %swap3A_104], %swap3A_107 {strides = array<i32>} : memref<1x1x256x512xf32, #tpu.memory_space<vmem>>, vector<1x1x256x512xf32>,
    %swap3A_108 = arith.constant 0 : index
    %swap3A_109 = arith.constant 0 : index
    %swap3A_110 = arith.constant 0 : index
    %swap3A_111 = arith.constant 0 : index
    %swap3A_112 = vector.load %arg6[%swap3A_108, %swap3A_109, %swap3A_110, %swap3A_111] : memref<1x1x256x512xi32, #tpu.memory_space<vmem>>, vector<1x1x256x512xi32>
    %swap3A_113 = vector.shape_cast %swap3A_112 : vector<1x1x256x512xi32> to vector<256x512xi32>
    %swap3A_114 = vector.shape_cast %select_n3A_99 : vector<256x512xi32> to vector<1x1x256x512xi32>
    tpu.vector_store %arg6[%swap3A_108, %swap3A_109, %swap3A_110, %swap3A_111], %swap3A_114 {strides = array<i32>} : memref<1x1x256x512xi32, #tpu.memory_space<vmem>>, vector<1x1x256x512xi32>,
    return
  }
  func.func @transform_0(%arg0: i32, %arg1: i32) -> (i32, i32, i32, i32) {
    %c0_i32 = arith.constant 0 : i32
    %c0_i32_0 = arith.constant 0 : i32
    %c0_i32_1 = arith.constant 0 : i32
    return %arg0, %c0_i32, %arg1, %c0_i32_0 : i32, i32, i32, i32
  }
  func.func @transform_1(%arg0: i32, %arg1: i32) -> (i32, i32, i32, i32) {
    %c0_i32 = arith.constant 0 : i32
    %c0_i32_0 = arith.constant 0 : i32
    %c0_i32_1 = arith.constant 0 : i32
    return %arg0, %c0_i32, %arg1, %c0_i32_0 : i32, i32, i32, i32
  }
  func.func @transform_2(%arg0: i32, %arg1: i32) -> (i32, i32, i32, i32) {
    %c0_i32 = arith.constant 0 : i32
    %c0_i32_0 = arith.constant 0 : i32
    %c0_i32_1 = arith.constant 0 : i32
    return %arg0, %c0_i32, %arg1, %c0_i32_0 : i32, i32, i32, i32
  }
  func.func @transform_3(%arg0: i32, %arg1: i32) -> (i32, i32, i32, i32) {
    %c0_i32 = arith.constant 0 : i32
    %c0_i32_0 = arith.constant 0 : i32
    %c0_i32_1 = arith.constant 0 : i32
    return %arg0, %c0_i32, %arg1, %c0_i32_0 : i32, i32, i32, i32
  }
  func.func @transform_4(%arg0: i32, %arg1: i32) -> (i32, i32, i32, i32) {
    %c0_i32 = arith.constant 0 : i32
    %c0_i32_0 = arith.constant 0 : i32
    %c0_i32_1 = arith.constant 0 : i32
    return %arg0, %c0_i32, %arg1, %c0_i32_0 : i32, i32, i32, i32
  }
}

</mosaic_0001>

<sc_bundles>
// kernel: kernel.6.cloned.1.call-start
scs
__scs_entry_jumppad:
0x0: {  	(pc) =	sbr.rel $0x88, $3  }
0x1: {  	(tag) =	ssettag $0x0;
	lr =	simm.s32 $0x1  }
0x2: {  	[smem:$0x3F9B] =	sst lr;
	_ =	strace $0xD0000000  }
0x3: {  	_ = 	snop  }
0x4: {  	_ = 	snop  }
0x5: {  	_ = 	snop  }
0x6: {  	_ = 	snop  }
0x7: {  	_ = 	snop  }
__scs_overlays_trampoline_lowered:
0x8: {  	[smem:$0x3FAA] =	sst s0  }
0x9: {  	[smem:$0x3FAB] =	sst s1  }
0xa: {  	[smem:$0x3FAC] =	sst s2  }
0xb: {  	[smem:$0x3FAD] =	sst s3  }
0xc: {  	[smem:$0x3FAE] =	sst s4  }
0xd: {  	[smem:$0x3FAF] =	sst s5  }
0xe: {  	[smem:$0x3FB0] =	sst s6  }
0xf: {  	[smem:$0x3FB1] =	sst s7  }
0x10: {  	[smem:$0x3FB2] =	sst s8  }
0x11: {  	[smem:$0x3FB3] =	sst s9;
	s0 =	simm.s32 @!p0 $0x0  }
0x12: {  	s1 =	sld [smem:$0x3F99];
	s0 =	simm.s32 @p0 $0x1  }
0x13: {  	[smem:$0x3FB4] =	sst s0;
	s0 =	simm.s32 @!p1 $0x0  }
0x14: {  	s2 =	sld [smem:$0x3F98];
	s0 =	simm.s32 @p1 $0x1  }
0x15: {  	[smem:$0x3FB5] =	sst s0;
	s0 =	simm.s32 @!p2 $0x0  }
0x16: {  	s3 =	sld [smem:$0x3FDB];
	s0 =	simm.s32 @p2 $0x1  }
0x17: {  	s4 =	simm.s32 $0x1BF5;
	[smem:$0x3FB7] =	sst s0  }
0x18: {  	s0 =	sld [smem:$0x3F9A];
	_ =	swait.ge [sflag:s4], $0x0  }
0x19: {  	s7 =	sld [smem:$0x3F9B]  }
0x1a: {  	s8 =	sadd.s32 $0xFFFFE003, lr  }
0x1b: {  	s9 =	sadd.s32 $0xFFFFFEF7, lr;
	s5 =	simm.s32 $0xFFFFFFFF;
	p2 =	slt.u32 s8, $0xFFFFF086  }
0x1c: {  	p1 =	slt.u32 s9, $0xF7A;
	s5 =	simm.s32 @!p2 $0x0  }
0x1d: {  	s5 =	simm.s32 @p1 $0x1;
	p0 =	seq.s32 s7, s2  }
0x1e: {  	s7 =	smul.u32 @!p0 $0xF7A, s2;
	p2 =	seq.s32 @!p0 s5, $0x0  }
0x1f: {  	s9 =	smul.u32 $0xF7A, s1;
	s8 =	simm.s32 @!p0 $0x1BF5;
	p2 =	por !p2, p0  }
0x20: {  	[sflag:s8] =	ssyncset.s32 @!p0 $0xFFFFF086;
	s6 =	sadd.s32 @!p0 s3, s7;
	s7 =	simm.s32 @!p0 $0x108  }
0x21: {  	s3 =	sadd.s32 s3, s9;
	s6 =	sadd.s32 @!p0 $0x88, s6;
	s7 =	simm.s32 @p2 $0x1082  }
0x22: {  	[simem:s7], [sflag:s8] =	dma.local @!p0 [hbm:s6], $0xF7A  }
0x23: {  	s9 =	sor.u32 $0xD0000000, s2;
	s6 =	simm.s32 $0x108;
	_ =	swait.ge @!p0 [sflag:s8], $0x0  }
0x24: {  	s3 =	sadd.s32 $0x88, s3;
	s6 =	simm.s32 @!p1 $0x1082;
	[sflag:s4] =	ssyncset.s32 $0xFFFFF086  }
0x25: {  	[simem:s6], [sflag:s4] =	dma.local [hbm:s3], $0xF7A  }
0x26: {  	[smem:$0x3F9B] =	sst s1;
	(tag) =	ssettag s2;
	_ =	strace s9  }
0x27: {  	s1 =	sld [smem:$0x3FAB]  }
0x28: {  	s2 =	sld [smem:$0x3FAC]  }
0x29: {  	s4 =	sld [smem:$0x3FAE]  }
0x2a: {  	p0 =	seq.s32 s5, $0x0;
	s5 =	sld [smem:$0x3FAF]  }
0x2b: {  	s6 =	sld [smem:$0x3FB0]  }
0x2c: {  	s7 =	sld [smem:$0x3FB1]  }
0x2d: {  	s3 =	simm.s32 $0x108;
	s8 =	sld [smem:$0x3FB2]  }
0x2e: {  	s3 =	simm.s32 @!p0 $0x1082;
	s9 =	sld [smem:$0x3FB3]  }
0x2f: {  	lr =	sadd.s32 s0, s3;
	s0 =	sld [smem:$0x3FAA]  }
0x30: {  	s3 =	sld [smem:$0x3FAD]  }
0x31: {  	[smem:$0x3FB6] =	sst s10  }
0x32: {  	s10 =	sld [smem:$0x3FB4];
	_ =	sdelay $0x3  }
0x33: {  	p0 =	seq.s32 s10, $0x1;
	s10 =	sld [smem:$0x3FB6];
	_ =	sdelay $0x3  }
0x34: {  	[smem:$0x3FB6] =	sst s10  }
0x35: {  	s10 =	sld [smem:$0x3FB5];
	_ =	sdelay $0x3  }
0x36: {  	p1 =	seq.s32 s10, $0x1;
	s10 =	sld [smem:$0x3FB6];
	_ =	sdelay $0x3  }
0x37: {  	[smem:$0x3FB6] =	sst s10  }
0x38: {  	s10 =	sld [smem:$0x3FB7]  }
0x39: {  	_ = 	snop;
	(pc) =	sbr.ind lr, $3  }
0x3a: {  	_ = 	snop  }
0x3b: {  	_ = 	snop  }
0x3c: {  	p2 =	seq.s32 s10, $0x1;
	s10 =	sld [smem:$0x3FB6]  }
0x3d: {  	_ =	shalt  }
0x3e: {  	_ =	shalt  }
0x3f: {  	_ =	shalt  }
0x40: {  	_ =	shalt  }
0x41: {  	_ =	shalt  }
0x42: {  	_ =	shalt  }
0x43: {  	_ =	shalt  }
0x44: {  	_ =	shalt  }
0x45: {  	_ =	shalt  }
0x46: {  	_ =	shalt  }
0x47: {  	_ =	shalt  }
0x48: {  	_ =	shalt  }
0x49: {  	_ =	shalt  }
0x4a: {  	_ =	shalt  }
0x4b: {  	_ =	shalt  }
0x4c: {  	_ =	shalt  }
0x4d: {  	_ =	shalt  }
0x4e: {  	_ =	shalt  }
0x4f: {  	_ =	shalt  }
0x50: {  	_ =	shalt  }
0x51: {  	_ =	shalt  }
0x52: {  	_ =	shalt  }
0x53: {  	_ =	shalt  }
0x54: {  	_ =	shalt  }
0x55: {  	_ =	shalt  }
0x56: {  	_ =	shalt  }
0x57: {  	_ =	shalt  }
0x58: {  	_ =	shalt  }
0x59: {  	_ =	shalt  }
0x5a: {  	_ =	shalt  }
0x5b: {  	_ =	shalt  }
0x5c: {  	_ =	shalt  }
0x5d: {  	_ =	shalt  }
0x5e: {  	_ =	shalt  }
0x5f: {  	_ =	shalt  }
0x60: {  	_ =	shalt  }
0x61: {  	_ =	shalt  }
0x62: {  	_ =	shalt  }
0x63: {  	_ =	shalt  }
0x64: {  	_ =	shalt  }
0x65: {  	_ =	shalt  }
0x66: {  	_ =	shalt  }
0x67: {  	_ =	shalt  }
0x68: {  	_ =	shalt  }
0x69: {  	_ =	shalt  }
0x6a: {  	_ =	shalt  }
0x6b: {  	_ =	shalt  }
0x6c: {  	_ =	shalt  }
0x6d: {  	_ =	shalt  }
0x6e: {  	_ =	shalt  }
0x6f: {  	_ =	shalt  }
0x70: {  	_ =	shalt  }
0x71: {  	_ =	shalt  }
0x72: {  	_ =	shalt  }
0x73: {  	_ =	shalt  }
0x74: {  	_ =	shalt  }
0x75: {  	_ =	shalt  }
0x76: {  	_ =	shalt  }
0x77: {  	_ =	shalt  }
0x78: {  	_ =	shalt  }
0x79: {  	_ =	shalt  }
0x7a: {  	_ =	shalt  }
0x7b: {  	_ =	shalt  }
0x7c: {  	_ =	shalt  }
0x7d: {  	_ =	shalt  }
0x7e: {  	_ =	shalt  }
0x7f: {  	_ =	shalt  }
0x80: {  	_ =	shalt  }
0x81: {  	_ =	shalt  }
0x82: {  	_ =	shalt  }
0x83: {  	_ =	shalt  }
0x84: {  	_ =	shalt  }
0x85: {  	_ =	shalt  }
0x86: {  	_ =	shalt  }
0x87: {  	_ =	shalt  }
.Lfunc_end0:
.L_simem_size_0:
called_computation_lowered:
.L_overlay_start_0:
0x88: {  	s2 =	sld [smem:$0x3FD9]  }
0x89: {  	s3 =	sld [smem:$0x3FFE];
	_ =	sdelay $0x1  }
0x8a: {  	s1 =	srdreg.scid  }
0x8b: {  	s0 =	sand.u32 $0x1, s1  }
0x8c: {  	s15 =	sshll.u32 s0, $0xA;
	s2 =	sadd.s32 s3, s2  }
0x8d: {  	s2 =	sadd.s32 s2, s15  }
0x8e: {  	[smem:$0x3FC2] =	sst s2  }
0x8f: {  	_ = 	snop  }
0x90: {  	s16 =	sld [smem:$0x3FD0];
	_ =	sdelay $0x2  }
0x91: {  	s4 =	simm.s32 $0xB;
	s5 =	simm.s32 $0x10;
	s2 =	sld [smem:$0x3FC6]  }
0x92: {  	[smem:s5], [sflag:s4] =	dma.local [hbm:s16], $0x1  }
0x93: {  	_ =	swait.eq [sflag:s4], $0x1  }
0x94: {  	[sflag:s4] =	ssyncset.done $0x0  }
0x95: {  	[sflag:s4] =	ssyncadd.s32 $0xFFFFFFFF  }
0x96: {  	s17 =	sld [smem:$0x10];
	(tm) =	ssettm $0x1  }
0x97: {  	s18 =	sld [smem:$0x3FFB];
	_ =	sdelay $0x3  }
0x98: {  	_ =	strace s18  }
0x99: {  	s3 =	sld [smem:$0x3FFC];
	_ =	sdelay $0x3  }
0x9a: {  	_ =	strace s3  }
0x9b: {  	s3 =	sld [smem:$0x3FFD];
	_ =	sdelay $0x3  }
0x9c: {  	_ =	strace s3  }
0x9d: {  	_ =	strace $0x8FFFFFFF  }
0x9e: {  	s19 =	sld [smem:$0x3FDB];
	_ =	sdelay $0x1  }
0x9f: {  	s20 =	simm.s32 $_scs_section_size  }
0xa0: {  	s6 =	simm.s32 $_size__tile_overlayer_lowered;
	s7 =	simm.s32 $_tile_overlayer_lowered  }
0xa1: {  	s8 =	simm.s32 $0x1BFF;
	s21 =	sshll.u32 s7, $0x1;
	s5 =	sadd.s32 s20, s19  }
0xa2: {  	s22 =	simm.s32 $0x0;
	s6 =	sshll.u32 s6, $0x1;
	s7 =	sadd.s32 s21, s5  }
0xa3: {  	[timem:s22], [sflag:s8] =	dma.local [hbm:s7], s6  }
0xa4: {  	_ =	swait.ge [sflag:s8], s6  }
0xa5: {  	s6 =	ssub.s32 $0x0, s6;
	[sflag:s8] =	ssyncset.done $0x0  }
0xa6: {  	[sflag:s8] =	ssyncadd.s32 s6;
	_ =	sdelay $0x1  }
0xa7: {  	s23 =	simm.s32 $0x1B8B  }
0xa8: {  	_ =	swait.ge [sflag:s23], $0x1  }
0xa9: {  	[sflag:s23] =	ssyncset.done $0x0  }
0xaa: {  	[sflag:s23] =	ssyncadd.s32 $0xFFFFFFFF  }
0xab: {  	s6 =	sld [smem:$0x0]  }
0xac: {  	s7 =	sand.u32 $0xFFFFFFFE, s1  }
0xad: {  	p0 =	sne.s32 s1, s7  }
0xae: {  	s7 =	sshll.u32 @p0 s7, $0xE  }
0xaf: {  	s7 =	sadd.s32 @p0 $0x11B8D, s7;
	s8 =	sshll.u32 @p0 s6, $0x11  }
0xb0: {  	s7 =	sor.u32 @p0 s8, s7  }
0xb1: {  	[sflag:s7] =	ssyncadd.remote.s32 @p0 $0x1;
	_ =	sdelay $0x1  }
0xb2: {  	s7 =	simm.s32 @p0 $0x1B8D  }
0xb3: {  	_ =	swait.eq @p0 [sflag:s7], $0x1  }
0xb4: {  	[sflag:s7] =	ssyncadd.s32 @p0 $0xFFFFFFFF  }
0xb5: {  	s8 =	sshll.u32 @!p0 s1, $0xE  }
0xb6: {  	s8 =	sor.u32 @!p0 $0x4000, s8;
	s7 =	simm.s32 @!p0 $0x1B8D  }
0xb7: {  	s6 =	sshll.u32 @!p0 s6, $0x11;
	s8 =	sadd.s32 @!p0 $0x11B8D, s8;
	_ =	swait.eq @!p0 [sflag:s7], $0x1  }
0xb8: {  	s6 =	sor.u32 @!p0 s6, s8;
	[sflag:s7] =	ssyncadd.s32 @!p0 $0xFFFFFFFF  }
0xb9: {  	s25 =	simm.s32 $0x1B8E;
	s24 =	sld [smem:$0x3FFE];
	[sflag:s6] =	ssyncadd.remote.s32 @!p0 $0x1  }
0xba: {  	s26 =	simm.s32 $execute0_lowered;
	[smem:$0x3FD2] =	sst s25  }
0xbb: {  	s7 =	sshll.u32 s26, $0x1;
	_ =	strace $0x80000049;
	[dreg:$0x1] =	wrdreg $0xFFFFFFFF  }
0xbc: {  	s28 =	simm.s32 $_size_execute0_lowered;
	s5 =	sadd.s32 s5, s7;
	[dreg:$0x0] =	wrdreg $0x0  }
0xbd: {  	s7 =	sshll.u32 s28, $0x1;
	[dreg:$0x2] =	wrdreg s5  }
0xbe: {  	[dreg:$0x3] =	wrdreg s7  }
0xbf: {  	[dreg:$0x4] =	wrdreg $0xC0  }
0xc0: {  	_ =	task [dreg:s22], $0x5FFFF  }
0xc1: {  	[dreg:$0x1] =	wrdreg $0xFFFFFFFF  }
0xc2: {  	[dreg:$0x0] =	wrdreg $0x60  }
0xc3: {  	[dreg:$0x2] =	wrdreg s17  }
0xc4: {  	[dreg:$0x3] =	wrdreg s2  }
0xc5: {  	[dreg:$0x4] =	wrdreg s24  }
0xc6: {  	[dreg:$0x5] =	wrdreg $0x9  }
0xc7: {  	_ =	task.clear_ibuf [dreg:s22], $0x6FFFF;
	_ =	strace $0x90000049  }
0xc8: {  	s29 =	simm.s32 $0x9;
	_ =	strace $0x8000004B  }
0xc9: {  	_ =	swait.ge [sflag:s29], $0x1  }
0xca: {  	[sflag:s29] =	ssyncadd.s32 $0xFFFFFFFF  }
0xcb: {  	_ =	strace $0x9000004B  }
0xcc: {  	_ =	sfence  }
0xcd: {  	s30 =	sld [smem:$0x0];
	_ =	sdelay $0x2  }
0xce: {  	s31 =	sshll.u32 s1, $0xD;
	s1 =	sshrl.u32 s1, $0x2  }
0xcf: {  	s4 =	sand.u32 $0x4000, s31;
	s1 =	sadd.s32 s1, s30  }
0xd0: {  	s0 =	sor.u32 s4, s0;
	s1 =	sshll.u32 s1, $0x11  }
0xd1: {  	s0 =	sor.u32 s1, s0  }
0xd2: {  	s0 =	sadd.s32 $0x8F2B, s0  }
0xd3: {  	[sflag:s0] =	ssyncadd.remote.s32 $0x1  }
0xd4: {  	_ =	sfence.sel $0xFFFF  }
0xd5: {  	[dreg:$0x0] =	wrdreg $0xFFFFFFFF;
	(pc) =	sbr.abs _section_cstart, $3  }
0xd6: {  	[dreg:$0x1] =	wrdreg $0xFFFFFFFF  }
0xd7: {  	_ =	task.clear_ibuf [dreg:s22], $0x2FFFF;
	_ =	strace $0x9FFFFFFF  }
0xd8: {  	(tm) =	ssettm $0x7FFFFFFF  }
0xd9: {  	_ =	shalt  }
tec
execute0_lowered:
.L_overlay_start_1:
0x0: {  	(tag) =	ssettag $0x1  }
0x1: {  	s1 =	rddreg [dreg:$0x0]  }
0x2: {  	s2 =	rddreg [dreg:$0x1]  }
0x3: {  	s0 =	rddreg [dreg:$0x2]  }
0x4: {  	s3 =	simm.s32 $0x0;
	s4 =	srdreg.scid;
	s7 =	stileid.u32  }
0x5: {  	s9 =	simm.s32 $0x80;
	s10 =	simm.s32 $0x200;
	s13 =	simm.s32 $0x14000  }
0x6: {  	s14 =	simm.s32 $0x16000;
	s15 =	simm.s32 $0x1;
	s16 =	simm.s32 $0x8000  }
0x7: {  	s17 =	simm.s32 $0x2;
	s18 =	simm.s32 $0x3;
	s19 =	simm.s32 $0x2000  }
0x8: {  	s20 =	simm.s32 $0xA000;
	s21 =	simm.s32 $0x4000;
	s22 =	simm.s32 $0xC000  }
0x9: {  	s23 =	simm.s32 $0x6000;
	s24 =	simm.s32 $0xE000;
	s4 =	sand.u32 $0x1, s4  }
0xa: {  	[smem:$0x7FF] =	sst s3;
	s6 =	sshll.u32 s4, $0x4;
	s4 =	ssub.s32 $0x2, s4  }
0xb: {  	s5 =	sadd.s32 $0x90A00, s0;
	s7 =	sor.u32 s7, s6;
	s30 =	sshrl.u32 s4, $0x1  }
0xc: {  	s6 =	sadd.s32 $0x110A00, s0;
	s8 =	sshll.u32 s7, $0xF;
	s0 =	ssub.s32 s4, s30  }
0xd: {  	v2 =	vimm.f32 $0.0e+00;
	v3 =	vimm.s32 $0xFFFFFFFF;
	_ =	strace $0x8000004A;
	s31 =	sadd.s32 $0x8000, s8;
	s0 =	smax.u32 s0, $0x1  }
0xe: {  	v4 =	vlaneseq.u32;
	s7 =	sshll.u32 s7, $0xA;
	s4 =	simm.s32 $0x0;
	v0 =	vmov s8;
	[dreg:$0x4] =	wrdreg s0;
	v1 =	vmov s31  }
.LBB2_1:
0xf: {  	[dreg:$0x5] =	wrdreg s4;
	s26 =	simm.s32 $0x0  }
.LBB2_2:
0x10: {  	s0 =	sshll.u32 s26, $0x4  }
0x11: {  	s8 =	simm.s32 $0x10000;
	s31 =	simm.s32 $0x12000;
	s4 =	sadd.s32 s1, s0  }
0x12: {  	[tilespmem:s8], [sflag:$0x1] =	stream.strided.gather [hbm4b:s4+s9], $0x2000, s10, s9, $0x38;
	[tilespmem:$0x18000] =	vst v63  }
0x13: {  	s0 =	sadd.s32 s2, s0;
	s4 =	simm.s32 $0x0;
	s8 =	simm.s32 $0x0  }
0x14: {  	[tilespmem:s31], [sflag:$0x1] =	stream.strided.gather [hbm4b:s0+s9], $0x2000, s10, s9, $0x38;
	[tilespmem:$0x18000] =	vst v63  }
.LBB2_3:
0x15: {  	s0 =	sshll.u32 s8, $0x9;
	s25 =	sshll.u32 s8, $0x7  }
0x16: {  	s0 =	sand.u32 $0x1000, s0;
	s25 =	sand.u32 $0x380, s25  }
0x17: {  	s31 =	sand.u32 $0xC00, s4;
	s0 =	sor.u32 s25, s0  }
0x18: {  	s28 =	sand.u32 $0x70, s4;
	s29 =	sor.u32 s0, s31  }
0x19: {  	s25 =	simm.s32 $0x10;
	s29 =	sor.u32 s28, s29;
	s28 =	simm.s32 $0x0  }
.LBB2_4:
0x1a: {  	p0 =	sne.s32 s25, $0x1F0  }
0x1b: {  	[tilespmem:s29+$0x0] =	vst v2;
	s28 =	sadd.s32 $0x80, s28;
	s30 =	smov.u32 s25;
	s25 =	sadd.s32 $0x10, s25  }
.Ltmp0:
0x1c: {  	[tilespmem:s29+$0x8000] =	vst v3;
	(pc) =	sbr.rel @p0 .LBB2_4-.Ltmp0, $4  }
0x1d: {  	_ = 	snop  }
0x1e: {  	s29 =	sand.u32 $0xC00, s28  }
0x1f: {  	s30 =	sand.u32 $0x70, s30;
	s29 =	sor.u32 s0, s29  }
0x20: {  	s29 =	sor.u32 s30, s29  }
0x21: {  	s8 =	sadd.s32 $0x1, s8  }
0x22: {  	p0 =	sne.s32 s8, $0x10  }
.Ltmp1:
0x23: {  	_ = 	snop;
	(pc) =	sbr.rel @p0 .LBB2_3-.Ltmp1, $3  }
0x24: {  	_ =	sdelay $0x1  }
0x25: {  	[tilespmem:s29+$0x0] =	vst v2  }
0x26: {  	[tilespmem:s29+$0x8000] =	vst v3;
	s0 =	simm.s32 $0x0  }
0x27: {  	s8 =	simm.s32 $0x0  }
.LBB2_7:
0x28: {  	s4 =	sshll.u32 s8, $0x9;
	s25 =	sshll.u32 s8, $0x7  }
0x29: {  	s4 =	sand.u32 $0x1000, s4;
	s25 =	sand.u32 $0x380, s25  }
0x2a: {  	s4 =	sor.u32 s25, s4  }
0x2b: {  	s31 =	sand.u32 $0xC00, s0;
	s4 =	sor.u32 $0x2000, s4  }
0x2c: {  	s28 =	sand.u32 $0x70, s0;
	s29 =	sor.u32 s4, s31  }
0x2d: {  	s25 =	simm.s32 $0x10;
	s29 =	sor.u32 s28, s29;
	s28 =	simm.s32 $0x0  }
.LBB2_8:
0x2e: {  	p0 =	sne.s32 s25, $0x1F0  }
0x2f: {  	[tilespmem:s29+$0x0] =	vst v2;
	s28 =	sadd.s32 $0x80, s28;
	s30 =	smov.u32 s25;
	s25 =	sadd.s32 $0x10, s25  }
.Ltmp2:
0x30: {  	[tilespmem:s29+$0x8000] =	vst v3;
	(pc) =	sbr.rel @p0 .LBB2_8-.Ltmp2, $4  }
0x31: {  	_ = 	snop  }
0x32: {  	s29 =	sand.u32 $0xC00, s28  }
0x33: {  	s30 =	sand.u32 $0x70, s30;
	s29 =	sor.u32 s4, s29  }
0x34: {  	s29 =	sor.u32 s30, s29  }
0x35: {  	s8 =	sadd.s32 $0x1, s8  }
0x36: {  	p0 =	sne.s32 s8, $0x10  }
.Ltmp3:
0x37: {  	_ = 	snop;
	(pc) =	sbr.rel @p0 .LBB2_7-.Ltmp3, $3  }
0x38: {  	_ =	sdelay $0x1  }
0x39: {  	[tilespmem:s29+$0x0] =	vst v2  }
0x3a: {  	[tilespmem:s29+$0x8000] =	vst v3;
	s4 =	simm.s32 $0x0  }
0x3b: {  	s8 =	simm.s32 $0x0  }
.LBB2_11:
0x3c: {  	s0 =	sshll.u32 s8, $0x9;
	s25 =	sshll.u32 s8, $0x7  }
0x3d: {  	s0 =	sand.u32 $0x1000, s0;
	s25 =	sand.u32 $0x380, s25  }
0x3e: {  	s0 =	sor.u32 s25, s0  }
0x3f: {  	s31 =	sand.u32 $0xC00, s4;
	s0 =	sor.u32 $0x4000, s0  }
0x40: {  	s28 =	sand.u32 $0x70, s4;
	s29 =	sor.u32 s0, s31  }
0x41: {  	s25 =	simm.s32 $0x10;
	s29 =	sor.u32 s28, s29;
	s28 =	simm.s32 $0x0  }
.LBB2_12:
0x42: {  	p0 =	sne.s32 s25, $0x1F0  }
0x43: {  	[tilespmem:s29+$0x0] =	vst v2;
	s28 =	sadd.s32 $0x80, s28;
	s30 =	smov.u32 s25;
	s25 =	sadd.s32 $0x10, s25  }
.Ltmp4:
0x44: {  	[tilespmem:s29+$0x8000] =	vst v3;
	(pc) =	sbr.rel @p0 .LBB2_12-.Ltmp4, $4  }
0x45: {  	_ = 	snop  }
0x46: {  	s29 =	sand.u32 $0xC00, s28  }
0x47: {  	s30 =	sand.u32 $0x70, s30;
	s29 =	sor.u32 s0, s29  }
0x48: {  	s29 =	sor.u32 s30, s29  }
0x49: {  	s8 =	sadd.s32 $0x1, s8  }
0x4a: {  	p0 =	sne.s32 s8, $0x10  }
.Ltmp5:
0x4b: {  	_ = 	snop;
	(pc) =	sbr.rel @p0 .LBB2_11-.Ltmp5, $3  }
0x4c: {  	_ =	sdelay $0x1  }
0x4d: {  	[tilespmem:s29+$0x0] =	vst v2  }
0x4e: {  	[tilespmem:s29+$0x8000] =	vst v3;
	s0 =	simm.s32 $0x0  }
0x4f: {  	s4 =	simm.s32 $0x0  }
.LBB2_15:
0x50: {  	s8 =	sshll.u32 s4, $0x9;
	s25 =	sshll.u32 s4, $0x7  }
0x51: {  	s8 =	sand.u32 $0x1000, s8;
	s25 =	sand.u32 $0x380, s25  }
0x52: {  	s8 =	sor.u32 s25, s8  }
0x53: {  	s31 =	sand.u32 $0xC00, s0;
	s8 =	sor.u32 $0x6000, s8  }
0x54: {  	s28 =	sand.u32 $0x70, s0;
	s29 =	sor.u32 s8, s31  }
0x55: {  	s25 =	simm.s32 $0x10;
	s29 =	sor.u32 s28, s29;
	s28 =	simm.s32 $0x0  }
.LBB2_16:
0x56: {  	p0 =	sne.s32 s25, $0x1F0  }
0x57: {  	[tilespmem:s29+$0x0] =	vst v2;
	s28 =	sadd.s32 $0x80, s28;
	s30 =	smov.u32 s25;
	s25 =	sadd.s32 $0x10, s25  }
.Ltmp6:
0x58: {  	[tilespmem:s29+$0x8000] =	vst v3;
	(pc) =	sbr.rel @p0 .LBB2_16-.Ltmp6, $4  }
0x59: {  	_ = 	snop  }
0x5a: {  	s29 =	sand.u32 $0xC00, s28  }
0x5b: {  	s30 =	sand.u32 $0x70, s30;
	s29 =	sor.u32 s8, s29  }
0x5c: {  	s29 =	sor.u32 s30, s29  }
0x5d: {  	s4 =	sadd.s32 $0x1, s4  }
0x5e: {  	p0 =	sne.s32 s4, $0x10  }
.Ltmp7:
0x5f: {  	_ = 	snop;
	(pc) =	sbr.rel @p0 .LBB2_15-.Ltmp7, $3  }
0x60: {  	_ =	sdelay $0x1  }
0x61: {  	[tilespmem:s29+$0x0] =	vst v2  }
0x62: {  	[tilespmem:s29+$0x8000] =	vst v3  }
0x63: {  	s28 =	sshll.u32 s26, $0x7;
	s4 =	simm.s32 $0x0  }
0x64: {  	s31 =	simm.s32 $0x2000;
	s0 =	simm.s32 $0x0;
	s29 =	sadd.s32 $0x10000, s28  }
.LBB2_19:
0x65: {  	s8 =	sshll.u32 s0, $0x10  }
0x66: {  	s8 =	sadd.s32 s8, s28  }
0x67: {  	s8 =	sadd.s32 $0x8000, s8  }
0x68: {  	s8 =	sshrl.u32 s8, $0x3  }
0x69: {  	s25 =	sadd.s32 s1, s8  }
0x6a: {  	[tilespmem:s13], [sflag:$0x2] =	stream.strided.gather [hbm4b:s25+s9], $0x2000, s10, s9, $0x38;
	[tilespmem:$0x18000] =	vst v63  }
0x6b: {  	s8 =	sadd.s32 s2, s8  }
0x6c: {  	[tilespmem:s14], [sflag:$0x2] =	stream.strided.gather [hbm4b:s8+s9], $0x2000, s10, s9, $0x38;
	[tilespmem:$0x18000] =	vst v63  }
0x6d: {  	_ =	swait.ge [sflag:s15], $0x2000  }
0x6e: {  	[sflag:s15] =	ssyncset.done $0x0  }
0x6f: {  	[sflag:s15] =	ssyncadd.s32 $0xFFFFE000  }
0x70: {  	_ =	swait.ge [sflag:s15], $0x2000  }
0x71: {  	[sflag:s15] =	ssyncset.done $0x0  }
0x72: {  	s25 =	simm.s32 $0x0;
	[sflag:s15] =	ssyncadd.s32 $0xFFFFE000  }
0x73: {  	v5 =	vld [tilespmem:s25+$0x10000];
	_ =	sdelay $0x4  }
0x74: {  	vm0 =	vge.s32 v5, v0;
	vm1 =	vlt.s32 v5, v1  }
0x75: {  	v5 =	vsub.s32 v5, v0;
	vm0 =	vmand vm0, vm1  }
0x76: {  	v5 =	vnsel vm0, $0x0, v5  }
0x77: {  	v6 =	vshra.s32 v5, $0xB  }
0x78: {  	v7 =	vshll.u32 v5, $0x4;
	v8 =	vshll.u32 v6, $0x9  }
0x79: {  	v9 =	vshll.u32 v5, $0x3;
	v7 =	vand.u32 $0x6000, v7;
	v8 =	vand.u32 $0xFFFFF000, v8  }
0x7a: {  	v63 =	vand.u32 $0xC00, v9;
	v6 =	vshll.u32 v6, $0x7;
	v7 =	vadd.s32 v7, v8  }
0x7b: {  	v6 =	vand.u32 $0x380, v6;
	v7 =	vor.u32 v63, v7  }
0x7c: {  	v5 =	vand.u32 $0x7F, v5;
	v6 =	vor.u32 v6, v7  }
0x7d: {  	v5 =	vor.u32 v5, v6  }
0x7e: {  	v6 =	vld [tilespmem:s25+$0x12000];
	_ =	sdelay $0x2  }
0x7f: {  	v7 =	vor.u32 s4, v4  }
0x80: {  	[tilespmem:v5+s16+$0x0] =	vst.idx.msk vm0, v7  }
0x81: {  	s8 =	simm.s32 $0x10;
	[tilespmem:v5+s3+$0x0] =	vst.idx.msk vm0, v6  }
0x82: {  	s30 =	smov.u32 s4;
	s25 =	simm.s32 $0x80;
	v5 =	vld [tilespmem:s8+$0x10000]  }
.LBB2_20:
0x83: {  	p0 =	sne.s32 s25, $0x7FC0;
	_ =	sdelay $0x3  }
0x84: {  	vm0 =	vge.s32 v5, v0;
	vm1 =	vlt.s32 v5, v1  }
0x85: {  	v5 =	vsub.s32 v5, v0;
	vm0 =	vmand vm0, vm1  }
0x86: {  	v5 =	vnsel vm0, $0x0, v5  }
0x87: {  	v6 =	vshra.s32 v5, $0xB  }
0x88: {  	v7 =	vshll.u32 v5, $0x4;
	v8 =	vshll.u32 v6, $0x9  }
0x89: {  	v9 =	vshll.u32 v5, $0x3;
	v7 =	vand.u32 $0x6000, v7;
	v8 =	vand.u32 $0xFFFFF000, v8  }
0x8a: {  	v6 =	vshll.u32 v6, $0x7;
	v7 =	vadd.s32 v7, v8;
	v8 =	vand.u32 $0xC00, v9  }
0x8b: {  	v6 =	vand.u32 $0x380, v6;
	v7 =	vor.u32 v8, v7  }
0x8c: {  	v5 =	vand.u32 $0x7F, v5;
	v6 =	vor.u32 v6, v7  }
0x8d: {  	v5 =	vor.u32 v5, v6  }
0x8e: {  	v6 =	vld [tilespmem:s8+$0x12000];
	_ =	sdelay $0x1  }
.Ltmp8:
0x8f: {  	s30 =	sadd.s32 $0x10, s30;
	(pc) =	sbr.rel @p0 .LBB2_20-.Ltmp8, $4  }
0x90: {  	v7 =	vor.u32 s30, v4  }
0x91: {  	[tilespmem:v5+s16+$0x0] =	vst.idx.msk vm0, v7  }
0x92: {  	s8 =	sshra.s32 s25, $0x2;
	[tilespmem:v5+s3+$0x0] =	vst.idx.msk vm0, v6  }
0x93: {  	s25 =	sadd.s32 $0x40, s25;
	v5 =	vld [tilespmem:s8+$0x10000]  }
0x94: {  	_ =	sdelay $0x3  }
0x95: {  	vm0 =	vge.s32 v5, v0;
	vm1 =	vlt.s32 v5, v1  }
0x96: {  	v5 =	vsub.s32 v5, v0;
	vm0 =	vmand vm0, vm1  }
0x97: {  	v5 =	vnsel vm0, $0x0, v5  }
0x98: {  	v6 =	vshra.s32 v5, $0xB  }
0x99: {  	v7 =	vshll.u32 v5, $0x4;
	v8 =	vshll.u32 v6, $0x9  }
0x9a: {  	v9 =	vshll.u32 v5, $0x3;
	v7 =	vand.u32 $0x6000, v7;
	v8 =	vand.u32 $0xFFFFF000, v8  }
0x9b: {  	v60 =	vand.u32 $0xC00, v9;
	v6 =	vshll.u32 v6, $0x7;
	v7 =	vadd.s32 v7, v8  }
0x9c: {  	v6 =	vand.u32 $0x380, v6;
	v7 =	vor.u32 v60, v7  }
0x9d: {  	v5 =	vand.u32 $0x7F, v5;
	v6 =	vor.u32 v6, v7  }
0x9e: {  	v5 =	vor.u32 v5, v6  }
0x9f: {  	v6 =	vld [tilespmem:s8+$0x12000]  }
0xa0: {  	p0 =	seq.s32 s0, $0x7  }
0xa1: {  	s25 =	sadd.s32 $0x10, s30;
	s8 =	sshll.u32 @!p0 s0, $0x10  }
0xa2: {  	v7 =	vor.u32 s25, v4;
	s8 =	sadd.s32 @!p0 s29, s8  }
0xa3: {  	s30 =	simm.s32 @!p0 $0x80;
	s8 =	sshrl.u32 @!p0 s8, $0x3;
	[tilespmem:v5+s16+$0x0] =	vst.idx.msk vm0, v7  }
0xa4: {  	s11 =	simm.s32 @!p0 $0x200;
	s12 =	simm.s32 @!p0 $0x10000;
	s25 =	sadd.s32 @!p0 s1, s8;
	[tilespmem:v5+s3+$0x0] =	vst.idx.msk vm0, v6  }
0xa5: {  	[tilespmem:s12], [sflag:$0x1] =	stream.strided.gather @!p0 [hbm4b:s25+s30], $0x2000, s11, s30, $0x38;
	[tilespmem:$0x18000] =	vst v63  }
0xa6: {  	s8 =	sadd.s32 @!p0 s2, s8;
	s12 =	simm.s32 @!p0 $0x12000  }
0xa7: {  	[tilespmem:s12], [sflag:$0x1] =	stream.strided.gather @!p0 [hbm4b:s8+s30], $0x2000, s11, s30, $0x38;
	[tilespmem:$0x18000] =	vst v63  }
0xa8: {  	_ =	swait.ge [sflag:s17], $0x2000  }
0xa9: {  	[sflag:s17] =	ssyncset.done $0x0  }
0xaa: {  	[sflag:s17] =	ssyncadd.s32 $0xFFFFE000  }
0xab: {  	_ =	swait.ge [sflag:s17], $0x2000  }
0xac: {  	[sflag:s17] =	ssyncset.done $0x0  }
0xad: {  	s25 =	simm.s32 $0x0;
	[sflag:s17] =	ssyncadd.s32 $0xFFFFE000  }
0xae: {  	v5 =	vld [tilespmem:s25+$0x14000];
	_ =	sdelay $0x4  }
0xaf: {  	vm14 =	vge.s32 v5, v0;
	vm15 =	vlt.s32 v5, v1  }
0xb0: {  	v5 =	vsub.s32 v5, v0;
	vm0 =	vmand vm14, vm15  }
0xb1: {  	v5 =	vnsel vm0, $0x0, v5  }
0xb2: {  	v6 =	vshra.s32 v5, $0xB  }
0xb3: {  	v7 =	vshll.u32 v5, $0x4;
	v61 =	vshll.u32 v6, $0x9  }
0xb4: {  	v62 =	vshll.u32 v5, $0x3;
	v7 =	vand.u32 $0x6000, v7;
	v8 =	vand.u32 $0xFFFFF000, v61  }
0xb5: {  	v63 =	vand.u32 $0xC00, v62;
	v6 =	vshll.u32 v6, $0x7;
	v7 =	vadd.s32 v7, v8  }
0xb6: {  	v6 =	vand.u32 $0x380, v6;
	v7 =	vor.u32 v63, v7  }
0xb7: {  	v5 =	vand.u32 $0x7F, v5;
	v6 =	vor.u32 v6, v7  }
0xb8: {  	v5 =	vor.u32 v5, v6  }
0xb9: {  	v6 =	vld [tilespmem:s25+$0x16000];
	_ =	sdelay $0x2  }
0xba: {  	v7 =	vor.u32 s31, v4  }
0xbb: {  	[tilespmem:v5+s16+$0x0] =	vst.idx.msk vm0, v7  }
0xbc: {  	s8 =	simm.s32 $0x10;
	[tilespmem:v5+s3+$0x0] =	vst.idx.msk vm0, v6  }
0xbd: {  	s30 =	smov.u32 s31;
	s25 =	simm.s32 $0x80;
	v5 =	vld [tilespmem:s8+$0x14000]  }
.LBB2_22:
0xbe: {  	p0 =	sne.s32 s25, $0x7FC0;
	_ =	sdelay $0x3  }
0xbf: {  	vm0 =	vge.s32 v5, v0;
	vm1 =	vlt.s32 v5, v1  }
0xc0: {  	v5 =	vsub.s32 v5, v0;
	vm0 =	vmand vm0, vm1  }
0xc1: {  	v5 =	vnsel vm0, $0x0, v5  }
0xc2: {  	v6 =	vshra.s32 v5, $0xB  }
0xc3: {  	v7 =	vshll.u32 v5, $0x4;
	v8 =	vshll.u32 v6, $0x9  }
0xc4: {  	v9 =	vshll.u32 v5, $0x3;
	v7 =	vand.u32 $0x6000, v7;
	v8 =	vand.u32 $0xFFFFF000, v8  }
0xc5: {  	v6 =	vshll.u32 v6, $0x7;
	v7 =	vadd.s32 v7, v8;
	v8 =	vand.u32 $0xC00, v9  }
0xc6: {  	v6 =	vand.u32 $0x380, v6;
	v7 =	vor.u32 v8, v7  }
0xc7: {  	v5 =	vand.u32 $0x7F, v5;
	v6 =	vor.u32 v6, v7  }
0xc8: {  	v5 =	vor.u32 v5, v6  }
0xc9: {  	v6 =	vld [tilespmem:s8+$0x16000];
	_ =	sdelay $0x1  }
.Ltmp9:
0xca: {  	s30 =	sadd.s32 $0x10, s30;
	(pc) =	sbr.rel @p0 .LBB2_22-.Ltmp9, $4  }
0xcb: {  	v7 =	vor.u32 s30, v4  }
0xcc: {  	[tilespmem:v5+s16+$0x0] =	vst.idx.msk vm0, v7  }
0xcd: {  	s8 =	sshra.s32 s25, $0x2;
	[tilespmem:v5+s3+$0x0] =	vst.idx.msk vm0, v6  }
0xce: {  	s25 =	sadd.s32 $0x40, s25;
	v5 =	vld [tilespmem:s8+$0x14000]  }
0xcf: {  	_ =	sdelay $0x3  }
0xd0: {  	vm0 =	vge.s32 v5, v0;
	vm1 =	vlt.s32 v5, v1  }
0xd1: {  	v5 =	vsub.s32 v5, v0;
	vm0 =	vmand vm0, vm1  }
0xd2: {  	v5 =	vnsel vm0, $0x0, v5  }
0xd3: {  	v6 =	vshra.s32 v5, $0xB  }
0xd4: {  	v7 =	vshll.u32 v5, $0x4;
	v8 =	vshll.u32 v6, $0x9  }
0xd5: {  	v9 =	vshll.u32 v5, $0x3;
	v7 =	vand.u32 $0x6000, v7;
	v8 =	vand.u32 $0xFFFFF000, v8  }
0xd6: {  	v63 =	vand.u32 $0xC00, v9;
	v6 =	vshll.u32 v6, $0x7;
	v7 =	vadd.s32 v7, v8  }
0xd7: {  	v6 =	vand.u32 $0x380, v6;
	v7 =	vor.u32 v63, v7  }
0xd8: {  	v5 =	vand.u32 $0x7F, v5;
	v6 =	vor.u32 v6, v7  }
0xd9: {  	s0 =	sadd.s32 $0x1, s0;
	v5 =	vor.u32 v5, v6  }
0xda: {  	p0 =	sne.s32 s0, $0x8;
	v6 =	vld [tilespmem:s8+$0x16000]  }
.Ltmp10:
0xdb: {  	_ = 	snop;
	(pc) =	sbr.rel @p0 .LBB2_19-.Ltmp10, $4  }
0xdc: {  	s30 =	sadd.s32 $0x10, s30  }
0xdd: {  	v7 =	vor.u32 s30, v4  }
0xde: {  	[tilespmem:v5+s16+$0x0] =	vst.idx.msk vm0, v7  }
0xdf: {  	s4 =	sadd.s32 $0x4000, s4;
	s31 =	sadd.s32 $0x4000, s31;
	[tilespmem:v5+s3+$0x0] =	vst.idx.msk vm0, v6  }
0xe0: {  	s0 =	sshll.u32 s26, $0x11  }
0xe1: {  	s0 =	sor.u32 s7, s0  }
0xe2: {  	s4 =	sadd.s32 s5, s0  }
0xe3: {  	[hbm4b:s4+s3] =	stream.linear.scatter [tilespmem:s3], [sflag:$0x3], $0x2000, $0x38;
	[tilespmem:$0x18000] =	vst v63  }
0xe4: {  	_ =	swait.ge [sflag:s18], $0x2000  }
0xe5: {  	[sflag:s18] =	ssyncset.done $0x0  }
0xe6: {  	s25 =	sadd.s32 s6, s0;
	[sflag:s18] =	ssyncadd.s32 $0xFFFFE000  }
0xe7: {  	[hbm4b:s25+s3] =	stream.linear.scatter [tilespmem:s16], [sflag:$0x3], $0x2000, $0x38;
	[tilespmem:$0x18000] =	vst v63  }
0xe8: {  	_ =	swait.ge [sflag:s18], $0x2000  }
0xe9: {  	s28 =	sor.u32 $0x8000, s0;
	[sflag:s18] =	ssyncset.done $0x0  }
0xea: {  	s8 =	sadd.s32 s5, s28;
	[sflag:s18] =	ssyncadd.s32 $0xFFFFE000  }
0xeb: {  	[hbm4b:s8+s3] =	stream.linear.scatter [tilespmem:s19], [sflag:$0x3], $0x2000, $0x38;
	[tilespmem:$0x18000] =	vst v63  }
0xec: {  	_ =	swait.ge [sflag:s18], $0x2000  }
0xed: {  	[sflag:s18] =	ssyncset.done $0x0  }
0xee: {  	s4 =	sadd.s32 s6, s28;
	[sflag:s18] =	ssyncadd.s32 $0xFFFFE000  }
0xef: {  	[hbm4b:s4+s3] =	stream.linear.scatter [tilespmem:s20], [sflag:$0x3], $0x2000, $0x38;
	[tilespmem:$0x18000] =	vst v63  }
0xf0: {  	_ =	swait.ge [sflag:s18], $0x2000  }
0xf1: {  	s29 =	sor.u32 $0x10000, s0;
	[sflag:s18] =	ssyncset.done $0x0  }
0xf2: {  	s30 =	sadd.s32 s5, s29;
	[sflag:s18] =	ssyncadd.s32 $0xFFFFE000  }
0xf3: {  	[hbm4b:s30+s3] =	stream.linear.scatter [tilespmem:s21], [sflag:$0x3], $0x2000, $0x38;
	[tilespmem:$0x18000] =	vst v63  }
0xf4: {  	_ =	swait.ge [sflag:s18], $0x2000  }
0xf5: {  	[sflag:s18] =	ssyncset.done $0x0  }
0xf6: {  	s4 =	sadd.s32 s6, s29;
	[sflag:s18] =	ssyncadd.s32 $0xFFFFE000  }
0xf7: {  	[hbm4b:s4+s3] =	stream.linear.scatter [tilespmem:s22], [sflag:$0x3], $0x2000, $0x38;
	[tilespmem:$0x18000] =	vst v63  }
0xf8: {  	_ =	swait.ge [sflag:s18], $0x2000  }
0xf9: {  	s0 =	sor.u32 $0x18000, s0;
	[sflag:s18] =	ssyncset.done $0x0  }
0xfa: {  	s31 =	sadd.s32 s5, s0;
	[sflag:s18] =	ssyncadd.s32 $0xFFFFE000  }
0xfb: {  	[hbm4b:s31+s3] =	stream.linear.scatter [tilespmem:s23], [sflag:$0x3], $0x2000, $0x38;
	[tilespmem:$0x18000] =	vst v63  }
0xfc: {  	s26 =	sadd.s32 $0x1, s26;
	_ =	swait.ge [sflag:s18], $0x2000  }
0xfd: {  	p0 =	sne.s32 s26, $0x4;
	[sflag:s18] =	ssyncset.done $0x0  }
.Ltmp11:
0xfe: {  	s0 =	sadd.s32 s6, s0;
	[sflag:s18] =	ssyncadd.s32 $0xFFFFE000;
	(pc) =	sbr.rel @p0 .LBB2_2-.Ltmp11, $4  }
0xff: {  	[hbm4b:s0+s3] =	stream.linear.scatter [tilespmem:s24], [sflag:$0x3], $0x2000, $0x38;
	[tilespmem:$0x18000] =	vst v63  }
0x100: {  	_ =	swait.ge [sflag:s18], $0x2000  }
0x101: {  	[sflag:s18] =	ssyncset.done $0x0  }
0x102: {  	[sflag:s18] =	ssyncadd.s32 $0xFFFFE000  }
0x103: {  	s4 =	rddreg [dreg:$0x5]  }
0x104: {  	s0 =	rddreg [dreg:$0x4];
	s4 =	sadd.s32 $0x1, s4  }
0x105: {  	p0 =	sne.s32 s4, s0  }
.Ltmp12:
0x106: {  	_ = 	snop;
	(pc) =	sbr.rel @p0 .LBB2_1-.Ltmp12, $1  }
0x107: {  	_ =	sdelay $0x3  }
0x108: {  	_ =	sfence.sel $0x180000  }
0x109: {  	[bflag:$0x0] =	sbarrier.arrive $0xFFFF  }
0x10a: {  	_ =	strace $0x9000004A  }
0x10b: {  	s0 =	stileid.u32;
	[bflag:$0x2] =	sbarrier.arrive $0xFFFF  }
0x10c: {  	p0 =	sne.s32 s0, $0x0;
	s0 =	rddreg [dreg:$0x3]  }
0x10d: {  	s0 =	sadd.s32 @!p0 $0x100000, s0  }
0x10e: {  	[sflag:s0] =	ssyncadd.tile.s32 @!p0 $0x1;
	_ =	shalt  }
.Lfunc_end2:
_tile_overlayer_lowered:
.L_overlay_start_2:
0x10f: {  	(tag) =	ssettag $0x2  }
0x110: {  	s0 =	rddreg [dreg:$0x0];
	s2 =	stileid.u32  }
0x111: {  	s1 =	rddreg [dreg:$0x1];
	p0 =	sne.s32 s2, $0x0  }
0x112: {  	s3 =	rddreg [dreg:$0x2];
	[bflag:$0x3] =	sbarrier.arrive $0xFFFF;
	s2 =	simm.s32 @!p0 $0x1C03  }
0x113: {  	[timem:s3], [sflag:s2] =	dma.local @!p0 [hbm:s0], s1  }
0x114: {  	s0 =	simm.s32 @!p0 $0x3  }
0x115: {  	_ =	swait.ge @!p0 [sflag:s0], s1  }
0x116: {  	s1 =	ssub.s32 @!p0 $0x0, s1;
	[sflag:s0] =	ssyncset.done @!p0 $0x0  }
0x117: {  	[sflag:s0] =	ssyncadd.s32 @!p0 s1  }
0x118: {  	[bflag:$0x3] =	sbarrier.arrive $0xFFFF  }
0x119: {  	_ =	shalt  }

// kernel: kernel.9.cloned.1.call-start
scs
__scs_entry_jumppad:
0x0: {  	(pc) =	sbr.rel $0x88, $3  }
0x1: {  	(tag) =	ssettag $0x0;
	lr =	simm.s32 $0x1  }
0x2: {  	[smem:$0x3F9B] =	sst lr;
	_ =	strace $0xD0000000  }
0x3: {  	_ = 	snop  }
0x4: {  	_ = 	snop  }
0x5: {  	_ = 	snop  }
0x6: {  	_ = 	snop  }
0x7: {  	_ = 	snop  }
__scs_overlays_trampoline_lowered:
0x8: {  	[smem:$0x3FAA] =	sst s0  }
0x9: {  	[smem:$0x3FAB] =	sst s1  }
0xa: {  	[smem:$0x3FAC] =	sst s2  }
0xb: {  	[smem:$0x3FAD] =	sst s3  }
0xc: {  	[smem:$0x3FAE] =	sst s4  }
0xd: {  	[smem:$0x3FAF] =	sst s5  }
0xe: {  	[smem:$0x3FB0] =	sst s6  }
0xf: {  	[smem:$0x3FB1] =	sst s7  }
0x10: {  	[smem:$0x3FB2] =	sst s8  }
0x11: {  	[smem:$0x3FB3] =	sst s9;
	s0 =	simm.s32 @!p0 $0x0  }
0x12: {  	s1 =	sld [smem:$0x3F99];
	s0 =	simm.s32 @p0 $0x1  }
0x13: {  	[smem:$0x3FB4] =	sst s0;
	s0 =	simm.s32 @!p1 $0x0  }
0x14: {  	s2 =	sld [smem:$0x3F98];
	s0 =	simm.s32 @p1 $0x1  }
0x15: {  	[smem:$0x3FB5] =	sst s0;
	s0 =	simm.s32 @!p2 $0x0  }
0x16: {  	s3 =	sld [smem:$0x3FDB];
	s0 =	simm.s32 @p2 $0x1  }
0x17: {  	s4 =	simm.s32 $0x1BF5;
	[smem:$0x3FB7] =	sst s0  }
0x18: {  	s0 =	sld [smem:$0x3F9A];
	_ =	swait.ge [sflag:s4], $0x0  }
0x19: {  	s7 =	sld [smem:$0x3F9B]  }
0x1a: {  	s8 =	sadd.s32 $0xFFFFE003, lr  }
0x1b: {  	s9 =	sadd.s32 $0xFFFFFEF7, lr;
	s5 =	simm.s32 $0xFFFFFFFF;
	p2 =	slt.u32 s8, $0xFFFFF086  }
0x1c: {  	p1 =	slt.u32 s9, $0xF7A;
	s5 =	simm.s32 @!p2 $0x0  }
0x1d: {  	s5 =	simm.s32 @p1 $0x1;
	p0 =	seq.s32 s7, s2  }
0x1e: {  	s7 =	smul.u32 @!p0 $0xF7A, s2;
	p2 =	seq.s32 @!p0 s5, $0x0  }
0x1f: {  	s9 =	smul.u32 $0xF7A, s1;
	s8 =	simm.s32 @!p0 $0x1BF5;
	p2 =	por !p2, p0  }
0x20: {  	[sflag:s8] =	ssyncset.s32 @!p0 $0xFFFFF086;
	s6 =	sadd.s32 @!p0 s3, s7;
	s7 =	simm.s32 @!p0 $0x108  }
0x21: {  	s3 =	sadd.s32 s3, s9;
	s6 =	sadd.s32 @!p0 $0x88, s6;
	s7 =	simm.s32 @p2 $0x1082  }
0x22: {  	[simem:s7], [sflag:s8] =	dma.local @!p0 [hbm:s6], $0xF7A  }
0x23: {  	s9 =	sor.u32 $0xD0000000, s2;
	s6 =	simm.s32 $0x108;
	_ =	swait.ge @!p0 [sflag:s8], $0x0  }
0x24: {  	s3 =	sadd.s32 $0x88, s3;
	s6 =	simm.s32 @!p1 $0x1082;
	[sflag:s4] =	ssyncset.s32 $0xFFFFF086  }
0x25: {  	[simem:s6], [sflag:s4] =	dma.local [hbm:s3], $0xF7A  }
0x26: {  	[smem:$0x3F9B] =	sst s1;
	(tag) =	ssettag s2;
	_ =	strace s9  }
0x27: {  	s1 =	sld [smem:$0x3FAB]  }
0x28: {  	s2 =	sld [smem:$0x3FAC]  }
0x29: {  	s4 =	sld [smem:$0x3FAE]  }
0x2a: {  	p0 =	seq.s32 s5, $0x0;
	s5 =	sld [smem:$0x3FAF]  }
0x2b: {  	s6 =	sld [smem:$0x3FB0]  }
0x2c: {  	s7 =	sld [smem:$0x3FB1]  }
0x2d: {  	s3 =	simm.s32 $0x108;
	s8 =	sld [smem:$0x3FB2]  }
0x2e: {  	s3 =	simm.s32 @!p0 $0x1082;
	s9 =	sld [smem:$0x3FB3]  }
0x2f: {  	lr =	sadd.s32 s0, s3;
	s0 =	sld [smem:$0x3FAA]  }
0x30: {  	s3 =	sld [smem:$0x3FAD]  }
0x31: {  	[smem:$0x3FB6] =	sst s10  }
0x32: {  	s10 =	sld [smem:$0x3FB4];
	_ =	sdelay $0x3  }
0x33: {  	p0 =	seq.s32 s10, $0x1;
	s10 =	sld [smem:$0x3FB6];
	_ =	sdelay $0x3  }
0x34: {  	[smem:$0x3FB6] =	sst s10  }
0x35: {  	s10 =	sld [smem:$0x3FB5];
	_ =	sdelay $0x3  }
0x36: {  	p1 =	seq.s32 s10, $0x1;
	s10 =	sld [smem:$0x3FB6];
	_ =	sdelay $0x3  }
0x37: {  	[smem:$0x3FB6] =	sst s10  }
0x38: {  	s10 =	sld [smem:$0x3FB7]  }
0x39: {  	_ = 	snop;
	(pc) =	sbr.ind lr, $3  }
0x3a: {  	_ = 	snop  }
0x3b: {  	_ = 	snop  }
0x3c: {  	p2 =	seq.s32 s10, $0x1;
	s10 =	sld [smem:$0x3FB6]  }
0x3d: {  	_ =	shalt  }
0x3e: {  	_ =	shalt  }
0x3f: {  	_ =	shalt  }
0x40: {  	_ =	shalt  }
0x41: {  	_ =	shalt  }
0x42: {  	_ =	shalt  }
0x43: {  	_ =	shalt  }
0x44: {  	_ =	shalt  }
0x45: {  	_ =	shalt  }
0x46: {  	_ =	shalt  }
0x47: {  	_ =	shalt  }
0x48: {  	_ =	shalt  }
0x49: {  	_ =	shalt  }
0x4a: {  	_ =	shalt  }
0x4b: {  	_ =	shalt  }
0x4c: {  	_ =	shalt  }
0x4d: {  	_ =	shalt  }
0x4e: {  	_ =	shalt  }
0x4f: {  	_ =	shalt  }
0x50: {  	_ =	shalt  }
0x51: {  	_ =	shalt  }
0x52: {  	_ =	shalt  }
0x53: {  	_ =	shalt  }
0x54: {  	_ =	shalt  }
0x55: {  	_ =	shalt  }
0x56: {  	_ =	shalt  }
0x57: {  	_ =	shalt  }
0x58: {  	_ =	shalt  }
0x59: {  	_ =	shalt  }
0x5a: {  	_ =	shalt  }
0x5b: {  	_ =	shalt  }
0x5c: {  	_ =	shalt  }
0x5d: {  	_ =	shalt  }
0x5e: {  	_ =	shalt  }
0x5f: {  	_ =	shalt  }
0x60: {  	_ =	shalt  }
0x61: {  	_ =	shalt  }
0x62: {  	_ =	shalt  }
0x63: {  	_ =	shalt  }
0x64: {  	_ =	shalt  }
0x65: {  	_ =	shalt  }
0x66: {  	_ =	shalt  }
0x67: {  	_ =	shalt  }
0x68: {  	_ =	shalt  }
0x69: {  	_ =	shalt  }
0x6a: {  	_ =	shalt  }
0x6b: {  	_ =	shalt  }
0x6c: {  	_ =	shalt  }
0x6d: {  	_ =	shalt  }
0x6e: {  	_ =	shalt  }
0x6f: {  	_ =	shalt  }
0x70: {  	_ =	shalt  }
0x71: {  	_ =	shalt  }
0x72: {  	_ =	shalt  }
0x73: {  	_ =	shalt  }
0x74: {  	_ =	shalt  }
0x75: {  	_ =	shalt  }
0x76: {  	_ =	shalt  }
0x77: {  	_ =	shalt  }
0x78: {  	_ =	shalt  }
0x79: {  	_ =	shalt  }
0x7a: {  	_ =	shalt  }
0x7b: {  	_ =	shalt  }
0x7c: {  	_ =	shalt  }
0x7d: {  	_ =	shalt  }
0x7e: {  	_ =	shalt  }
0x7f: {  	_ =	shalt  }
0x80: {  	_ =	shalt  }
0x81: {  	_ =	shalt  }
0x82: {  	_ =	shalt  }
0x83: {  	_ =	shalt  }
0x84: {  	_ =	shalt  }
0x85: {  	_ =	shalt  }
0x86: {  	_ =	shalt  }
0x87: {  	_ =	shalt  }
.Lfunc_end0:
.L_simem_size_0:
called_computation.1_lowered:
.L_overlay_start_0:
0x88: {  	s2 =	sld [smem:$0x3FD9]  }
0x89: {  	s3 =	sld [smem:$0x3FFE];
	_ =	sdelay $0x1  }
0x8a: {  	s1 =	srdreg.scid  }
0x8b: {  	s0 =	sand.u32 $0x1, s1  }
0x8c: {  	s14 =	sshll.u32 s0, $0xA;
	s2 =	sadd.s32 s3, s2  }
0x8d: {  	s2 =	sadd.s32 s2, s14  }
0x8e: {  	[smem:$0x3FC2] =	sst s2  }
0x8f: {  	_ = 	snop  }
0x90: {  	s2 =	sld [smem:$0x3FD0];
	_ =	sdelay $0x2  }
0x91: {  	s15 =	simm.s32 $0xB;
	s4 =	simm.s32 $0x10  }
0x92: {  	[smem:s4], [sflag:s15] =	dma.local [hbm:s2], $0x1  }
0x93: {  	_ =	swait.eq [sflag:s15], $0x1  }
0x94: {  	[sflag:s15] =	ssyncset.done $0x0  }
0x95: {  	[sflag:s15] =	ssyncadd.s32 $0xFFFFFFFF  }
0x96: {  	s16 =	sld [smem:$0x11];
	(tm) =	ssettm $0x1  }
0x97: {  	s17 =	sld [smem:$0x3FFB];
	_ =	sdelay $0x3  }
0x98: {  	_ =	strace s17  }
0x99: {  	s3 =	sld [smem:$0x3FFC];
	_ =	sdelay $0x3  }
0x9a: {  	_ =	strace s3  }
0x9b: {  	s3 =	sld [smem:$0x3FFD];
	_ =	sdelay $0x3  }
0x9c: {  	_ =	strace s3  }
0x9d: {  	_ =	strace $0x8FFFFFFF  }
0x9e: {  	s18 =	sld [smem:$0x3FDB];
	_ =	sdelay $0x1  }
0x9f: {  	s19 =	simm.s32 $_scs_section_size  }
0xa0: {  	s5 =	simm.s32 $_size__tile_overlayer_lowered;
	s6 =	simm.s32 $_tile_overlayer_lowered  }
0xa1: {  	s22 =	simm.s32 $0x1BFF;
	s21 =	sshll.u32 s6, $0x1;
	s3 =	sadd.s32 s19, s18  }
0xa2: {  	s7 =	simm.s32 $0x0;
	s20 =	sshll.u32 s5, $0x1;
	s5 =	sadd.s32 s21, s3  }
0xa3: {  	[timem:s7], [sflag:s22] =	dma.local [hbm:s5], s20  }
0xa4: {  	_ =	swait.ge [sflag:s22], s20  }
0xa5: {  	s4 =	ssub.s32 $0x0, s20;
	[sflag:s22] =	ssyncset.done $0x0  }
0xa6: {  	[sflag:s22] =	ssyncadd.s32 s4;
	_ =	sdelay $0x1  }
0xa7: {  	s23 =	simm.s32 $0x1B8B  }
0xa8: {  	_ =	swait.ge [sflag:s23], $0x1  }
0xa9: {  	[sflag:s23] =	ssyncset.done $0x0  }
0xaa: {  	s25 =	simm.s32 $0x1B8E;
	s24 =	sld [smem:$0x3FFE];
	[sflag:s23] =	ssyncadd.s32 $0xFFFFFFFF  }
0xab: {  	s26 =	simm.s32 $execute0_lowered;
	[smem:$0x3FD2] =	sst s25  }
0xac: {  	s5 =	sshll.u32 s26, $0x1;
	_ =	strace $0x80000046;
	[dreg:$0x1] =	wrdreg $0xFFFFFFFF  }
0xad: {  	s28 =	simm.s32 $_size_execute0_lowered;
	s3 =	sadd.s32 s3, s5;
	[dreg:$0x0] =	wrdreg $0x0  }
0xae: {  	s5 =	sshll.u32 s28, $0x1;
	[dreg:$0x2] =	wrdreg s3  }
0xaf: {  	[dreg:$0x3] =	wrdreg s5  }
0xb0: {  	[dreg:$0x4] =	wrdreg $0xC0  }
0xb1: {  	_ =	task [dreg:s7], $0x5FFFF  }
0xb2: {  	[dreg:$0x1] =	wrdreg $0xFFFFFFFF  }
0xb3: {  	[dreg:$0x0] =	wrdreg $0x60  }
0xb4: {  	[dreg:$0x2] =	wrdreg s16  }
0xb5: {  	[dreg:$0x3] =	wrdreg s24  }
0xb6: {  	[dreg:$0x4] =	wrdreg $0xD0000  }
0xb7: {  	[dreg:$0x5] =	wrdreg $0xA  }
0xb8: {  	_ =	task.clear_ibuf [dreg:s7], $0x6FFFF;
	_ =	strace $0x90000046  }
0xb9: {  	s29 =	simm.s32 $0xA;
	_ =	strace $0x80000048  }
0xba: {  	_ =	swait.ge [sflag:s29], $0x1  }
0xbb: {  	[sflag:s29] =	ssyncadd.s32 $0xFFFFFFFF  }
0xbc: {  	_ =	strace $0x90000048  }
0xbd: {  	_ =	sfence  }
0xbe: {  	s30 =	sld [smem:$0x0];
	_ =	sdelay $0x2  }
0xbf: {  	s31 =	sshll.u32 s1, $0xD;
	s1 =	sshrl.u32 s1, $0x2  }
0xc0: {  	s3 =	sand.u32 $0x4000, s31;
	s1 =	sadd.s32 s1, s30  }
0xc1: {  	s0 =	sor.u32 s3, s0;
	s1 =	sshll.u32 s1, $0x11  }
0xc2: {  	s0 =	sor.u32 s1, s0  }
0xc3: {  	s0 =	sadd.s32 $0x8F2B, s0  }
0xc4: {  	[sflag:s0] =	ssyncadd.remote.s32 $0x1  }
0xc5: {  	_ =	sfence.sel $0xFFFF  }
0xc6: {  	[dreg:$0x0] =	wrdreg $0xFFFFFFFF;
	(pc) =	sbr.abs _section_cstart, $3  }
0xc7: {  	[dreg:$0x1] =	wrdreg $0xFFFFFFFF  }
0xc8: {  	_ =	task.clear_ibuf [dreg:s7], $0x2FFFF;
	_ =	strace $0x9FFFFFFF  }
0xc9: {  	(tm) =	ssettm $0x7FFFFFFF  }
tec
execute0_lowered:
.L_overlay_start_1:
0x0: {  	(tag) =	ssettag $0x1  }
0x1: {  	s0 =	rddreg [dreg:$0x0]  }
0x2: {  	s3 =	rddreg [dreg:$0x1]  }
0x3: {  	s1 =	rddreg [dreg:$0x2];
	s2 =	simm.s32 $0x0;
	s4 =	srdreg.scid  }
0x4: {  	s9 =	stileid.u32;
	s12 =	simm.s32 $0x80;
	s13 =	simm.s32 $0x200  }
0x5: {  	s14 =	simm.s32 $0x1000;
	s15 =	simm.s32 $0x2000;
	s16 =	simm.s32 $0x3000  }
0x6: {  	s17 =	simm.s32 $0x4000;
	s18 =	simm.s32 $0x5000;
	s19 =	simm.s32 $0x6000  }
0x7: {  	s20 =	simm.s32 $0x7000;
	s21 =	simm.s32 $0x1;
	s22 =	simm.s32 $0x8000  }
0x8: {  	s23 =	simm.s32 $0x9000;
	s28 =	simm.s32 $0xC000;
	s29 =	simm.s32 $0x3  }
0x9: {  	[smem:$0x7FF] =	sst s2;
	s7 =	sand.u32 $0x1, s4;
	s4 =	sadd.s32 $0xA00, s3  }
0xa: {  	s5 =	sadd.s32 $0x40A00, s3;
	s6 =	sadd.s32 $0x80A00, s3;
	s25 =	sshll.u32 s9, $0xE  }
0xb: {  	s26 =	sshll.u32 s9, $0x12;
	p0 =	sgt.u32 s9, $0x3;
	s30 =	sshll.u32 s9, $0x4  }
0xc: {  	_ =	strace $0x80000047;
	s8 =	ssub.s32 $0x2, s7;
	s7 =	sshll.u32 s7, $0x12  }
0xd: {  	s11 =	sadd.s32 s26, s1;
	s10 =	sshll.u32 @!p0 s9, $0x6;
	s0 =	sadd.s32 s0, s30  }
0xe: {  	s26 =	simm.s32 $0x2;
	s24 =	sshrl.u32 s8, $0x1;
	s7 =	sor.u32 s25, s7  }
0xf: {  	[dreg:$0x4] =	wrdreg s0;
	s0 =	sor.u32 @!p0 $0x1C03, s10;
	s3 =	ssub.s32 s8, s24  }
0x10: {  	s11 =	sshrl.u32 @!p0 s11, $0x3;
	[dreg:$0x6] =	wrdreg s0;
	s31 =	smax.u32 s3, $0x1  }
0x11: {  	s25 =	simm.s32 $0xB000;
	s24 =	simm.s32 $0xA000;
	[dreg:$0x5] =	wrdreg s31  }
.LBB2_1:
0x12: {  	s0 =	simm.s32 @!p0 $0x1;
	s8 =	rddreg [dreg:$0x4]  }
0x13: {  	s3 =	simm.s32 @!p0 $0x10;
	s30 =	simm.s32 @!p0 $0x40;
	s9 =	rddreg [dreg:$0x6]  }
0x14: {  	[spmem:s11@s3], [sflag:s9] =	dma.strided @!p0 [hbm:s8@s30], $0x8000, s0, $0x10   }
0x15: {  	s0 =	simm.s32 @!p0 $0x3  }
0x16: {  	_ =	swait.ge @!p0 [sflag:s0], $0x8000  }
0x17: {  	[sflag:s0] =	ssyncset.done @!p0 $0x0  }
0x18: {  	[sflag:s0] =	ssyncadd.s32 @!p0 $0xFFFF8000  }
0x19: {  	s30 =	simm.s32 $0x0;
	[bflag:$0x0] =	sbarrier.arrive $0xFFFF  }
.LBB2_2:
0x1a: {  	s0 =	sshll.u32 s30, $0x13  }
0x1b: {  	s0 =	sor.u32 s7, s0  }
0x1c: {  	s0 =	sshrl.u32 s0, $0x3  }
0x1d: {  	s31 =	simm.s32 $0x0;
	s3 =	sadd.s32 s4, s0  }
0x1e: {  	[tilespmem:s31], [sflag:$0x1] =	stream.strided.gather [hbm4b:s3+s12], $0x1000, s13, s12, $0x38;
	[tilespmem:$0x1D000] =	vst v63  }
0x1f: {  	s3 =	sor.u32 $0x10, s0  }
0x20: {  	s8 =	sadd.s32 s4, s3  }
0x21: {  	[tilespmem:s14], [sflag:$0x1] =	stream.strided.gather [hbm4b:s8+s12], $0x1000, s13, s12, $0x38;
	[tilespmem:$0x1D000] =	vst v63  }
0x22: {  	s8 =	sor.u32 $0x20, s0  }
0x23: {  	s9 =	sadd.s32 s4, s8  }
0x24: {  	[tilespmem:s15], [sflag:$0x1] =	stream.strided.gather [hbm4b:s9+s12], $0x1000, s13, s12, $0x38;
	[tilespmem:$0x1D000] =	vst v63  }
0x25: {  	s9 =	sor.u32 $0x30, s0  }
0x26: {  	s10 =	sadd.s32 s4, s9  }
0x27: {  	[tilespmem:s16], [sflag:$0x1] =	stream.strided.gather [hbm4b:s10+s12], $0x1000, s13, s12, $0x38;
	[tilespmem:$0x1D000] =	vst v63  }
0x28: {  	s0 =	sadd.s32 s5, s0  }
0x29: {  	[tilespmem:s17], [sflag:$0x1] =	stream.strided.gather [hbm4b:s0+s12], $0x1000, s13, s12, $0x38;
	[tilespmem:$0x1D000] =	vst v63  }
0x2a: {  	s3 =	sadd.s32 s5, s3  }
0x2b: {  	[tilespmem:s18], [sflag:$0x1] =	stream.strided.gather [hbm4b:s3+s12], $0x1000, s13, s12, $0x38;
	[tilespmem:$0x1D000] =	vst v63  }
0x2c: {  	s8 =	sadd.s32 s5, s8  }
0x2d: {  	[tilespmem:s19], [sflag:$0x1] =	stream.strided.gather [hbm4b:s8+s12], $0x1000, s13, s12, $0x38;
	[tilespmem:$0x1D000] =	vst v63  }
0x2e: {  	s10 =	sadd.s32 s5, s9  }
0x2f: {  	[tilespmem:s20], [sflag:$0x1] =	stream.strided.gather [hbm4b:s10+s12], $0x1000, s13, s12, $0x38;
	[tilespmem:$0x1D000] =	vst v63  }
0x30: {  	_ =	swait.ge [sflag:s21], $0x1000  }
0x31: {  	[sflag:s21] =	ssyncset.done $0x0  }
0x32: {  	[sflag:s21] =	ssyncadd.s32 $0xFFFFF000  }
0x33: {  	_ =	swait.ge [sflag:s21], $0x1000  }
0x34: {  	[sflag:s21] =	ssyncset.done $0x0  }
0x35: {  	[sflag:s21] =	ssyncadd.s32 $0xFFFFF000  }
0x36: {  	_ =	swait.ge [sflag:s21], $0x1000  }
0x37: {  	[sflag:s21] =	ssyncset.done $0x0  }
0x38: {  	[sflag:s21] =	ssyncadd.s32 $0xFFFFF000  }
0x39: {  	_ =	swait.ge [sflag:s21], $0x1000  }
0x3a: {  	[sflag:s21] =	ssyncset.done $0x0  }
0x3b: {  	[sflag:s21] =	ssyncadd.s32 $0xFFFFF000  }
0x3c: {  	[tilespmem:s22], [sflag:$0x2] =	stream.indirect.gather [spmem:s1], $0x1, s31, s14, $0xb8;
	[tilespmem:$0x1D000] =	vst v63  }
0x3d: {  	_ = 	snop  }
0x3e: {  	[tilespmem:s23], [sflag:$0x2] =	stream.indirect.gather [spmem:s1], $0x1, s14, s14, $0xb8;
	[tilespmem:$0x1D000] =	vst v63  }
0x3f: {  	_ = 	snop  }
0x40: {  	[tilespmem:s24], [sflag:$0x2] =	stream.indirect.gather [spmem:s1], $0x1, s15, s14, $0xb8;
	[tilespmem:$0x1D000] =	vst v63  }
0x41: {  	_ = 	snop  }
0x42: {  	[tilespmem:s25], [sflag:$0x2] =	stream.indirect.gather [spmem:s1], $0x1, s16, s14, $0xb8;
	[tilespmem:$0x1D000] =	vst v63  }
0x43: {  	_ =	swait.ge [sflag:s21], $0x1000  }
0x44: {  	[sflag:s21] =	ssyncset.done $0x0  }
0x45: {  	[sflag:s21] =	ssyncadd.s32 $0xFFFFF000  }
0x46: {  	_ =	swait.ge [sflag:s21], $0x1000  }
0x47: {  	[sflag:s21] =	ssyncset.done $0x0  }
0x48: {  	[sflag:s21] =	ssyncadd.s32 $0xFFFFF000  }
0x49: {  	_ =	swait.ge [sflag:s21], $0x1000  }
0x4a: {  	[sflag:s21] =	ssyncset.done $0x0  }
0x4b: {  	[sflag:s21] =	ssyncadd.s32 $0xFFFFF000  }
0x4c: {  	_ =	swait.ge [sflag:s21], $0x1000  }
0x4d: {  	[sflag:s21] =	ssyncset.done $0x0  }
0x4e: {  	[sflag:s21] =	ssyncadd.s32 $0xFFFFF000  }
0x4f: {  	_ =	swait.ge [sflag:s26], $0x1000  }
0x50: {  	[sflag:s26] =	ssyncset.done $0x0  }
0x51: {  	[sflag:s26] =	ssyncadd.s32 $0xFFFFF000  }
0x52: {  	_ =	swait.ge [sflag:s26], $0x1000  }
0x53: {  	[sflag:s26] =	ssyncset.done $0x0  }
0x54: {  	[sflag:s26] =	ssyncadd.s32 $0xFFFFF000  }
0x55: {  	_ =	swait.ge [sflag:s26], $0x1000  }
0x56: {  	[sflag:s26] =	ssyncset.done $0x0  }
0x57: {  	[sflag:s26] =	ssyncadd.s32 $0xFFFFF000  }
0x58: {  	_ =	swait.ge [sflag:s26], $0x1000  }
0x59: {  	[sflag:s26] =	ssyncset.done $0x0  }
0x5a: {  	s31 =	simm.s32 $0x0;
	[sflag:s26] =	ssyncadd.s32 $0xFFFFF000  }
0x5b: {  	v3 =	vld [tilespmem:s31+$0x4000]  }
0x5c: {  	v4 =	vld [tilespmem:s31+$0x8000]  }
0x5d: {  	v5 =	vld [tilespmem:s31+$0x5000]  }
0x5e: {  	v6 =	vld [tilespmem:s31+$0x9000]  }
0x5f: {  	v7 =	vld [tilespmem:s31+$0x6000]  }
0x60: {  	v8 =	vld [tilespmem:s31+$0xA000]  }
0x61: {  	v0 =	vld [tilespmem:s31+$0x7000]  }
0x62: {  	s0 =	simm.s32 $0x10;
	v2 =	vld [tilespmem:s31+$0xB000]  }
0x63: {  	v1 =	vld [tilespmem:s0+$0x4000];
	v9 =	vmul.f32 v4, v3;
	v5 =	vmul.f32 v6, v5  }
0x64: {  	v3 =	vld [tilespmem:s0+$0x8000]  }
0x65: {  	s3 =	simm.s32 $0x80;
	v4 =	vld [tilespmem:s0+$0x5000];
	v6 =	vmul.f32 v8, v7;
	v5 =	vadd.f32 v5, v9  }
.LBB2_3:
0x66: {  	p1 =	sne.s32 s3, $0x3FC0;
	v7 =	vld [tilespmem:s0+$0x9000]  }
0x67: {  	v8 =	vld [tilespmem:s0+$0x6000];
	v5 =	vadd.f32 v6, v5;
	v2 =	vmul.f32 v2, v0  }
0x68: {  	v6 =	vld [tilespmem:s0+$0xA000]  }
.Ltmp0:
0x69: {  	v0 =	vld [tilespmem:s0+$0x7000];
	v5 =	vadd.f32 v2, v5;
	(pc) =	sbr.rel @p1 .LBB2_3-.Ltmp0, $4  }
0x6a: {  	s8 =	sshra.s32 s3, $0x2;
	v2 =	vld [tilespmem:s0+$0xB000]  }
0x6b: {  	v9 =	vmul.f32 v3, v1;
	v1 =	vld [tilespmem:s8+$0x4000];
	v7 =	vmul.f32 v7, v4;
	[tilespmem:s31+$0xC000] =	vst v5;
	s31 =	smov.u32 s0;
	s0 =	smov.u32 s8  }
0x6c: {  	v3 =	vld [tilespmem:s0+$0x8000]  }
0x6d: {  	s3 =	sadd.s32 $0x40, s3;
	v4 =	vld [tilespmem:s0+$0x5000];
	v5 =	vadd.f32 v7, v9;
	v6 =	vmul.f32 v6, v8  }
0x6e: {  	v7 =	vld [tilespmem:s0+$0x9000]  }
0x6f: {  	v8 =	vld [tilespmem:s0+$0x6000]  }
0x70: {  	v9 =	vld [tilespmem:s0+$0xA000]  }
0x71: {  	v10 =	vld [tilespmem:s0+$0x7000]  }
0x72: {  	v11 =	vld [tilespmem:s0+$0xB000]  }
0x73: {  	v1 =	vmul.f32 v3, v1;
	v60 =	vmul.f32 v7, v4;
	_ =	sdelay $0x1  }
0x74: {  	v61 =	vmul.f32 v9, v8;
	v1 =	vadd.f32 v60, v1  }
0x75: {  	v62 =	vadd.f32 v6, v5;
	v0 =	vmul.f32 v2, v0  }
0x76: {  	v63 =	vmul.f32 v11, v10;
	v1 =	vadd.f32 v61, v1  }
0x77: {  	s3 =	sshll.u32 s30, $0x7;
	v0 =	vadd.f32 v0, v62  }
0x78: {  	s30 =	sadd.s32 $0x1, s30;
	s3 =	sadd.s32 s7, s3;
	v1 =	vadd.f32 v63, v1  }
0x79: {  	p1 =	sne.s32 s30, $0x4;
	s3 =	sshrl.u32 s3, $0x3;
	[tilespmem:s31+$0xC000] =	vst v0  }
.Ltmp1:
0x7a: {  	s31 =	sadd.s32 s6, s3;
	[tilespmem:s0+$0xC000] =	vst v1;
	(pc) =	sbr.rel @p1 .LBB2_2-.Ltmp1, $4  }
0x7b: {  	[hbm4b:s31+s12] =	stream.strided.scatter [tilespmem:s28], [sflag:$0x3], $0x1000, s13, s12, $0x38;
	[tilespmem:$0x1D000] =	vst v63  }
0x7c: {  	_ =	swait.ge [sflag:s29], $0x1000  }
0x7d: {  	[sflag:s29] =	ssyncset.done $0x0  }
0x7e: {  	[sflag:s29] =	ssyncadd.s32 $0xFFFFF000  }
0x7f: {  	s2 =	sadd.s32 $0x1, s2;
	s0 =	rddreg [dreg:$0x5]  }
0x80: {  	p1 =	sne.s32 s2, s0  }
.Ltmp2:
0x81: {  	_ = 	snop;
	(pc) =	sbr.rel @p1 .LBB2_1-.Ltmp2, $1  }
0x82: {  	_ =	sdelay $0x3  }
0x83: {  	_ =	sfence.sel $0x180000  }
0x84: {  	[bflag:$0x0] =	sbarrier.arrive $0xFFFF  }
0x85: {  	_ =	strace $0x90000047  }
0x86: {  	s0 =	stileid.u32;
	[bflag:$0x2] =	sbarrier.arrive $0xFFFF  }
0x87: {  	p0 =	sne.s32 s0, $0x0;
	s0 =	rddreg [dreg:$0x3]  }
0x88: {  	s0 =	sadd.s32 @!p0 $0x100000, s0  }
0x89: {  	[sflag:s0] =	ssyncadd.tile.s32 @!p0 $0x1;
	_ =	shalt  }
.Lfunc_end2:
_tile_overlayer_lowered:
.L_overlay_start_2:
0x8a: {  	(tag) =	ssettag $0x2  }
0x8b: {  	s0 =	rddreg [dreg:$0x0];
	s2 =	stileid.u32  }
0x8c: {  	s1 =	rddreg [dreg:$0x1];
	p0 =	sne.s32 s2, $0x0  }
0x8d: {  	s3 =	rddreg [dreg:$0x2];
	[bflag:$0x3] =	sbarrier.arrive $0xFFFF;
	s2 =	simm.s32 @!p0 $0x1C03  }
0x8e: {  	[timem:s3], [sflag:s2] =	dma.local @!p0 [hbm:s0], s1  }
0x8f: {  	s0 =	simm.s32 @!p0 $0x3  }
0x90: {  	_ =	swait.ge @!p0 [sflag:s0], s1  }
0x91: {  	s1 =	ssub.s32 @!p0 $0x0, s1;
	[sflag:s0] =	ssyncset.done @!p0 $0x0  }
0x92: {  	[sflag:s0] =	ssyncadd.s32 @!p0 s1  }
0x93: {  	[bflag:$0x3] =	sbarrier.arrive $0xFFFF  }
0x94: {  	_ =	shalt  }

</sc_bundles>
